<compile_context>
chip_gen: v7x
topology: tpu7x:2x2x1
jax: 0.10.2.dev20260603
libtpu: 0.0.44.dev20260713+nightly
codegen_flags: <defaults>
</compile_context>

<pallas_src>
import functools

import jax
import jax.numpy as jnp
from jax import lax
from jax.experimental import pallas as pl
from jax.experimental.pallas import tpu as pltpu
from jax.experimental.pallas import tpu_sc as plsc

N_A = 128
B = 4096
L = 200
NW = 32
RPW = B // NW
NG = (L + 15) // 16


def _sc_hist_body(x_hbm, out_hbm, x_v, cnt_v, sem_a, sem_b, sem_o):
    wid = lax.axis_index("s") * 2 + lax.axis_index("c")
    RH = RPW // 2
    HL = RH * L
    HC = RH * N_A
    xbase0 = wid * (RPW * L)
    obase0 = wid * (RPW * N_A)

    in_a = pltpu.async_copy(x_hbm.at[pl.ds(xbase0, HL)], x_v.at[pl.ds(0, HL)], sem_a)
    in_b = pltpu.async_copy(
        x_hbm.at[pl.ds(xbase0 + HL, HL)], x_v.at[pl.ds(HL, HL)], sem_b
    )

    zeros16 = jnp.zeros((16,), jnp.float32)

    @plsc.parallel_loop(0, RPW * N_A // 16, unroll=16)
    def _zero(i):
        cnt_v[pl.ds(i * 16, 16)] = zeros16

    lane = lax.iota(jnp.int32, 16)
    m_first = lane >= 1
    m_last = lane < (L - (NG - 1) * 16)
    ones16 = jnp.ones((16,), jnp.float32)

    def scatter_row(r):
        xbase = r * L
        row_ref = cnt_v.at[pl.ds(r * N_A, N_A)]
        for g in range(NG):
            vals = x_v[pl.ds(xbase + g * 16, 16)]
            if g == 0:
                mask = m_first
            elif g == NG - 1:
                mask = m_last
            else:
                mask = None
            plsc.addupdate_scatter(row_ref, [vals], ones16, mask=mask)

    in_a.wait()

    @plsc.parallel_loop(0, RH, unroll=8)
    def _row_a(r):
        scatter_row(r)

    out_a = pltpu.async_copy(
        cnt_v.at[pl.ds(0, HC)], out_hbm.at[pl.ds(obase0, HC)], sem_o
    )
    in_b.wait()

    @plsc.parallel_loop(RH, RPW, unroll=8)
    def _row_b(r):
        scatter_row(r)

    out_a.wait()
    pltpu.sync_copy(cnt_v.at[pl.ds(HC, HC)], out_hbm.at[pl.ds(obase0 + HC, HC)])


@functools.lru_cache(maxsize=1)
def _sc_hist():
    return pl.kernel(
        _sc_hist_body,
        mesh=plsc.VectorSubcoreMesh(core_axis_name="c", subcore_axis_name="s"),
        compiler_params=pltpu.CompilerParams(needs_layout_passes=False),
        out_type=jax.ShapeDtypeStruct((B * N_A,), jnp.float32),
        scratch_types=[
            pltpu.VMEM((RPW * L,), jnp.int32),
            pltpu.VMEM((RPW * N_A,), jnp.float32),
            pltpu.SemaphoreType.DMA,
            pltpu.SemaphoreType.DMA,
            pltpu.SemaphoreType.DMA,
        ],
    )


def _tc_body(c_ref, w_ref, b_ref, o_ref):
    o_ref[...] = (
        jax.lax.dot_general(
            c_ref[...], w_ref[...], (((1,), (1,)), ((), ())),
            preferred_element_type=jnp.float32,
        )
        + b_ref[...]
    )


def _tc_linear(counts, w, b2):
    brow = 2048
    return pl.pallas_call(
        _tc_body,
        grid=(B // brow,),
        in_specs=[
            pl.BlockSpec((brow, N_A), lambda i: (i, 0)),
            pl.BlockSpec((N_A, N_A), lambda i: (0, 0)),
            pl.BlockSpec((1, N_A), lambda i: (0, 0)),
        ],
        out_specs=pl.BlockSpec((brow, N_A), lambda i: (i, 0)),
        out_shape=jax.ShapeDtypeStruct((B, N_A), jnp.float32),
    )(counts, w, b2)


def kernel(x, W, b):
    x1 = x.astype(jnp.int32).reshape(B * L)
    counts = _sc_hist()(x1).reshape(B, N_A)
    return _tc_linear(counts, W, b.reshape(1, N_A))

# --- scband reference (transcript-rebuilt; emitter-appended) ---
"""Pipeline reference for scband-learning-heuristic-94489280840 (READ-ONLY COPY).

The authoritative reference and input builder live on the scoring server;
editing this copy changes nothing except your own understanding.
"""

import jax, jax.numpy as jnp
import numpy as np

N_ACTIONS = 128
BATCH = 4096
HIST = 200

def setup_inputs(seed: int = 0) -> dict:
    key = jax.random.key(seed)
    k1, k2, k3 = jax.random.split(key, 3)
    x = jax.random.randint(k1, (BATCH, HIST), 0, N_ACTIONS)
    # nn.Linear(n_actions, n_actions): weight [out, in], bias [out]
    W = jax.random.normal(k2, (N_ACTIONS, N_ACTIONS), dtype=jnp.float32) * 0.05
    b = jax.random.normal(k3, (N_ACTIONS,), dtype=jnp.float32) * 0.05
    return {"x": x, "W": W, "b": b}

def reference(x, W, b):
    B, L = x.shape
    A = W.shape[0]
    # one_hot = zeros(B, L, A).scatter_(2, x.unsqueeze(2), 1)  -> scatter-overwrite
    one_hot = jnp.zeros((B, L, A), dtype=jnp.float32)
    bi = jnp.arange(B)[:, None]
    li = jnp.arange(L)[None, :]
    one_hot = one_hot.at[bi, li, x].set(1.0)
    other = one_hot[:, 1:].sum(axis=1)
    this = one_hot[:, 0]  # computed in original forward but unused downstream
    q = other @ W.T + b
    return q

if __name__ == "__main__":
    import jax
    _d = setup_inputs()
    print(jax.jit(kernel)(*tuple(_d.values())))

</pallas_src>

<mosaic_0001>
#map = affine_map<(d0, d1) -> (0)>
module attributes {stable_mosaic.version = 14 : i64} {
  func.func @_sc_hist_body(%arg0: i32, %arg1: i32, %arg2: memref<819200xi32, #tpu.memory_space<hbm>>, %arg3: memref<524288xf32, #tpu.memory_space<hbm>>, %arg4: memref<25600xi32, #tpu.memory_space<vmem>>, %arg5: memref<16384xf32, #tpu.memory_space<vmem>>, %arg6: memref<!tpu.dma_semaphore, #tpu.memory_space<semaphore_mem>>, %arg7: memref<!tpu.dma_semaphore, #tpu.memory_space<semaphore_mem>>, %arg8: memref<!tpu.dma_semaphore, #tpu.memory_space<semaphore_mem>>) attributes {dimension_semantics = [#tpu.dimension_semantics<core_parallel>, #tpu.dimension_semantics<subcore_parallel>], iteration_bounds = array<i64: 2, 16>, scalar_prefetch = 0 : i64, scratch_operands = 5 : i64, tpu.core_type = #tpu.core_type<sc_vector_subcore>, window_params = [{transform_indices = #map}, {transform_indices = #map}]} {
    %mul3A = arith.constant 2 : i32
    %mul3A_0 = arith.muli %arg1, %mul3A : i32
    %add3A = arith.addi %mul3A_0, %arg0 : i32
    %mul3A_1 = arith.constant 25600 : i32
    %mul3A_2 = arith.muli %add3A, %mul3A_1 : i32
    %mul3A_3 = arith.constant 16384 : i32
    %mul3A_4 = arith.muli %add3A, %mul3A_3 : i32
    %dma_start3A = arith.constant 0 : i32
    %dma_start3A_5 = tpu.memref_slice %arg4[%dma_start3A] : memref<25600xi32, #tpu.memory_space<vmem>> -> memref<12800xi32, #tpu.memory_space<vmem>>
    %dma_start3A_6 = tpu.memref_slice %arg2[%mul3A_2] : memref<819200xi32, #tpu.memory_space<hbm>> -> memref<12800xi32, #tpu.memory_space<hbm>>
    %dma_start3A_7 = arith.constant 0 : i32
    %dma_start3A_8 = tpu.memref_slice %arg4[%dma_start3A_7] : memref<25600xi32, #tpu.memory_space<vmem>> -> memref<12800xi32, #tpu.memory_space<vmem>>
    %dma_start3A_9 = tpu.memref_slice %arg2[%mul3A_2] : memref<819200xi32, #tpu.memory_space<hbm>> -> memref<12800xi32, #tpu.memory_space<hbm>>
    tpu.enqueue_dma source(%dma_start3A_9 : memref<12800xi32, #tpu.memory_space<hbm>>) target(%dma_start3A_8 : memref<12800xi32, #tpu.memory_space<vmem>>) target_semaphore(%arg6 : memref<!tpu.dma_semaphore, #tpu.memory_space<semaphore_mem>>)
    %add3A_10 = arith.constant 12800 : i32
    %add3A_11 = arith.addi %mul3A_2, %add3A_10 : i32
    %dma_start3A_12 = arith.constant 12800 : i32
    %dma_start3A_13 = tpu.memref_slice %arg4[%dma_start3A_12] : memref<25600xi32, #tpu.memory_space<vmem>> -> memref<12800xi32, #tpu.memory_space<vmem>>
    %dma_start3A_14 = tpu.memref_slice %arg2[%add3A_11] : memref<819200xi32, #tpu.memory_space<hbm>> -> memref<12800xi32, #tpu.memory_space<hbm>>
    %dma_start3A_15 = arith.constant 12800 : i32
    %dma_start3A_16 = tpu.memref_slice %arg4[%dma_start3A_15] : memref<25600xi32, #tpu.memory_space<vmem>> -> memref<12800xi32, #tpu.memory_space<vmem>>
    %dma_start3A_17 = tpu.memref_slice %arg2[%add3A_11] : memref<819200xi32, #tpu.memory_space<hbm>> -> memref<12800xi32, #tpu.memory_space<hbm>>
    tpu.enqueue_dma source(%dma_start3A_17 : memref<12800xi32, #tpu.memory_space<hbm>>) target(%dma_start3A_16 : memref<12800xi32, #tpu.memory_space<vmem>>) target_semaphore(%arg7 : memref<!tpu.dma_semaphore, #tpu.memory_space<semaphore_mem>>)
    %broadcast_in_dim3A = arith.constant 0.000000e+00 : f32
    %broadcast_in_dim3A_18 = vector.broadcast %broadcast_in_dim3A : f32 to vector<16xf32>
    %parallel_loop3A = arith.constant 0 : i32
    %parallel_loop3A_19 = arith.constant 1024 : i32
    %parallel_loop3A_20 = arith.constant 1 : i32
    scf.for %parallel_loop3A_58 = %parallel_loop3A to %parallel_loop3A_19 step %parallel_loop3A_20  : i32 {
      %parallel_loop3A_59 = arith.constant 16 : i32
      %parallel_loop3A_60 = arith.muli %parallel_loop3A_58, %parallel_loop3A_59 : i32
      %parallel_loop3A_61 = arith.index_cast %parallel_loop3A_60 : i32 to index
      %parallel_loop3A_62 = tpu.vector_load %arg5[%parallel_loop3A_61] {strides = array<i32>} : memref<16384xf32, #tpu.memory_space<vmem>>, vector<16xf32>,
      tpu.vector_store %arg5[%parallel_loop3A_61], %broadcast_in_dim3A_18 {strides = array<i32>} : memref<16384xf32, #tpu.memory_space<vmem>>, vector<16xf32>,
    } {sc.loop_unroll_factor = 16 : i64, sc.parallel_access}
    %iota3A = tpu.iota {dimensions = array<i32: 0>} : vector<16xi32>
    %ge3A = arith.constant 1 : i32
    %ge3A_21 = vector.broadcast %ge3A : i32 to vector<16xi32>
    %ge3A_22 = arith.cmpi sge, %iota3A, %ge3A_21 : vector<16xi32>
    %lt3A = arith.constant 8 : i32
    %lt3A_23 = vector.broadcast %lt3A : i32 to vector<16xi32>
    %lt3A_24 = arith.cmpi slt, %iota3A, %lt3A_23 : vector<16xi32>
    %broadcast_in_dim3A_25 = arith.constant 1.000000e+00 : f32
    %broadcast_in_dim3A_26 = vector.broadcast %broadcast_in_dim3A_25 : f32 to vector<16xf32>
    %dma_wait3A = arith.constant 0 : i32
    %dma_wait3A_27 = tpu.memref_slice %arg4[%dma_wait3A] : memref<25600xi32, #tpu.memory_space<vmem>> -> memref<12800xi32, #tpu.memory_space<vmem>>
    %dma_wait3A_28 = tpu.memref_slice %arg2[%mul3A_2] : memref<819200xi32, #tpu.memory_space<hbm>> -> memref<12800xi32, #tpu.memory_space<hbm>>
    %dma_wait3A_29 = arith.constant 0 : i32
    %dma_wait3A_30 = tpu.memref_slice %arg4[%dma_wait3A_29] : memref<25600xi32, #tpu.memory_space<vmem>> -> memref<12800xi32, #tpu.memory_space<vmem>>
    %dma_wait3A_31 = tpu.memref_slice %arg2[%mul3A_2] : memref<819200xi32, #tpu.memory_space<hbm>> -> memref<12800xi32, #tpu.memory_space<hbm>>
    tpu.wait_dma2 semaphore(%arg6 : memref<!tpu.dma_semaphore, #tpu.memory_space<semaphore_mem>>) src(%dma_wait3A_31 : memref<12800xi32, #tpu.memory_space<hbm>>) dst(%dma_wait3A_30 : memref<12800xi32, #tpu.memory_space<vmem>>)
    %parallel_loop3A_32 = arith.constant 0 : i32
    %parallel_loop3A_33 = arith.constant 64 : i32
    %parallel_loop3A_34 = arith.constant 1 : i32
    scf.for %parallel_loop3A_58 = %parallel_loop3A_32 to %parallel_loop3A_33 step %parallel_loop3A_34  : i32 {
      %parallel_loop3A_59 = arith.constant 200 : i32
      %parallel_loop3A_60 = arith.muli %parallel_loop3A_58, %parallel_loop3A_59 : i32
      %parallel_loop3A_61 = arith.constant 128 : i32
      %parallel_loop3A_62 = arith.muli %parallel_loop3A_58, %parallel_loop3A_61 : i32
      %parallel_loop3A_63 = arith.constant 0 : i32
      %parallel_loop3A_64 = arith.addi %parallel_loop3A_60, %parallel_loop3A_63 : i32
      %parallel_loop3A_65 = arith.index_cast %parallel_loop3A_64 : i32 to index
      %parallel_loop3A_66 = tpu.vector_load %arg4[%parallel_loop3A_65] {strides = array<i32>} : memref<25600xi32, #tpu.memory_space<vmem>>, vector<16xi32>,
      %parallel_loop3A_67 = tpu.memref_slice %arg5[%parallel_loop3A_62] : memref<16384xf32, #tpu.memory_space<vmem>> -> memref<128xf32, #tpu.memory_space<vmem>>
      tpu.vector_store_idx %parallel_loop3A_67[%parallel_loop3A_66], %broadcast_in_dim3A_26 masked %ge3A_22 {add = true} : memref<128xf32, #tpu.memory_space<vmem>>[vector<16xi32>], vector<16xf32>, vector<16xi1>
      %parallel_loop3A_68 = arith.constant 16 : i32
      %parallel_loop3A_69 = arith.addi %parallel_loop3A_60, %parallel_loop3A_68 : i32
      %parallel_loop3A_70 = arith.index_cast %parallel_loop3A_69 : i32 to index
      %parallel_loop3A_71 = tpu.vector_load %arg4[%parallel_loop3A_70] {strides = array<i32>} : memref<25600xi32, #tpu.memory_space<vmem>>, vector<16xi32>,
      %parallel_loop3A_72 = tpu.memref_slice %arg5[%parallel_loop3A_62] : memref<16384xf32, #tpu.memory_space<vmem>> -> memref<128xf32, #tpu.memory_space<vmem>>
      tpu.vector_store_idx %parallel_loop3A_72[%parallel_loop3A_71], %broadcast_in_dim3A_26 {add = true} : memref<128xf32, #tpu.memory_space<vmem>>[vector<16xi32>], vector<16xf32>,
      %parallel_loop3A_73 = arith.constant 32 : i32
      %parallel_loop3A_74 = arith.addi %parallel_loop3A_60, %parallel_loop3A_73 : i32
      %parallel_loop3A_75 = arith.index_cast %parallel_loop3A_74 : i32 to index
      %parallel_loop3A_76 = tpu.vector_load %arg4[%parallel_loop3A_75] {strides = array<i32>} : memref<25600xi32, #tpu.memory_space<vmem>>, vector<16xi32>,
      %parallel_loop3A_77 = tpu.memref_slice %arg5[%parallel_loop3A_62] : memref<16384xf32, #tpu.memory_space<vmem>> -> memref<128xf32, #tpu.memory_space<vmem>>
      tpu.vector_store_idx %parallel_loop3A_77[%parallel_loop3A_76], %broadcast_in_dim3A_26 {add = true} : memref<128xf32, #tpu.memory_space<vmem>>[vector<16xi32>], vector<16xf32>,
      %parallel_loop3A_78 = arith.constant 48 : i32
      %parallel_loop3A_79 = arith.addi %parallel_loop3A_60, %parallel_loop3A_78 : i32
      %parallel_loop3A_80 = arith.index_cast %parallel_loop3A_79 : i32 to index
      %parallel_loop3A_81 = tpu.vector_load %arg4[%parallel_loop3A_80] {strides = array<i32>} : memref<25600xi32, #tpu.memory_space<vmem>>, vector<16xi32>,
      %parallel_loop3A_82 = tpu.memref_slice %arg5[%parallel_loop3A_62] : memref<16384xf32, #tpu.memory_space<vmem>> -> memref<128xf32, #tpu.memory_space<vmem>>
      tpu.vector_store_idx %parallel_loop3A_82[%parallel_loop3A_81], %broadcast_in_dim3A_26 {add = true} : memref<128xf32, #tpu.memory_space<vmem>>[vector<16xi32>], vector<16xf32>,
      %parallel_loop3A_83 = arith.constant 64 : i32
      %parallel_loop3A_84 = arith.addi %parallel_loop3A_60, %parallel_loop3A_83 : i32
      %parallel_loop3A_85 = arith.index_cast %parallel_loop3A_84 : i32 to index
      %parallel_loop3A_86 = tpu.vector_load %arg4[%parallel_loop3A_85] {strides = array<i32>} : memref<25600xi32, #tpu.memory_space<vmem>>, vector<16xi32>,
      %parallel_loop3A_87 = tpu.memref_slice %arg5[%parallel_loop3A_62] : memref<16384xf32, #tpu.memory_space<vmem>> -> memref<128xf32, #tpu.memory_space<vmem>>
      tpu.vector_store_idx %parallel_loop3A_87[%parallel_loop3A_86], %broadcast_in_dim3A_26 {add = true} : memref<128xf32, #tpu.memory_space<vmem>>[vector<16xi32>], vector<16xf32>,
      %parallel_loop3A_88 = arith.constant 80 : i32
      %parallel_loop3A_89 = arith.addi %parallel_loop3A_60, %parallel_loop3A_88 : i32
      %parallel_loop3A_90 = arith.index_cast %parallel_loop3A_89 : i32 to index
      %parallel_loop3A_91 = tpu.vector_load %arg4[%parallel_loop3A_90] {strides = array<i32>} : memref<25600xi32, #tpu.memory_space<vmem>>, vector<16xi32>,
      %parallel_loop3A_92 = tpu.memref_slice %arg5[%parallel_loop3A_62] : memref<16384xf32, #tpu.memory_space<vmem>> -> memref<128xf32, #tpu.memory_space<vmem>>
      tpu.vector_store_idx %parallel_loop3A_92[%parallel_loop3A_91], %broadcast_in_dim3A_26 {add = true} : memref<128xf32, #tpu.memory_space<vmem>>[vector<16xi32>], vector<16xf32>,
      %parallel_loop3A_93 = arith.constant 96 : i32
      %parallel_loop3A_94 = arith.addi %parallel_loop3A_60, %parallel_loop3A_93 : i32
      %parallel_loop3A_95 = arith.index_cast %parallel_loop3A_94 : i32 to index
      %parallel_loop3A_96 = tpu.vector_load %arg4[%parallel_loop3A_95] {strides = array<i32>} : memref<25600xi32, #tpu.memory_space<vmem>>, vector<16xi32>,
      %parallel_loop3A_97 = tpu.memref_slice %arg5[%parallel_loop3A_62] : memref<16384xf32, #tpu.memory_space<vmem>> -> memref<128xf32, #tpu.memory_space<vmem>>
      tpu.vector_store_idx %parallel_loop3A_97[%parallel_loop3A_96], %broadcast_in_dim3A_26 {add = true} : memref<128xf32, #tpu.memory_space<vmem>>[vector<16xi32>], vector<16xf32>,
      %parallel_loop3A_98 = arith.constant 112 : i32
      %parallel_loop3A_99 = arith.addi %parallel_loop3A_60, %parallel_loop3A_98 : i32
      %parallel_loop3A_100 = arith.index_cast %parallel_loop3A_99 : i32 to index
      %parallel_loop3A_101 = tpu.vector_load %arg4[%parallel_loop3A_100] {strides = array<i32>} : memref<25600xi32, #tpu.memory_space<vmem>>, vector<16xi32>,
      %parallel_loop3A_102 = tpu.memref_slice %arg5[%parallel_loop3A_62] : memref<16384xf32, #tpu.memory_space<vmem>> -> memref<128xf32, #tpu.memory_space<vmem>>
      tpu.vector_store_idx %parallel_loop3A_102[%parallel_loop3A_101], %broadcast_in_dim3A_26 {add = true} : memref<128xf32, #tpu.memory_space<vmem>>[vector<16xi32>], vector<16xf32>,
      %parallel_loop3A_103 = arith.constant 128 : i32
      %parallel_loop3A_104 = arith.addi %parallel_loop3A_60, %parallel_loop3A_103 : i32
      %parallel_loop3A_105 = arith.index_cast %parallel_loop3A_104 : i32 to index
      %parallel_loop3A_106 = tpu.vector_load %arg4[%parallel_loop3A_105] {strides = array<i32>} : memref<25600xi32, #tpu.memory_space<vmem>>, vector<16xi32>,
      %parallel_loop3A_107 = tpu.memref_slice %arg5[%parallel_loop3A_62] : memref<16384xf32, #tpu.memory_space<vmem>> -> memref<128xf32, #tpu.memory_space<vmem>>
      tpu.vector_store_idx %parallel_loop3A_107[%parallel_loop3A_106], %broadcast_in_dim3A_26 {add = true} : memref<128xf32, #tpu.memory_space<vmem>>[vector<16xi32>], vector<16xf32>,
      %parallel_loop3A_108 = arith.constant 144 : i32
      %parallel_loop3A_109 = arith.addi %parallel_loop3A_60, %parallel_loop3A_108 : i32
      %parallel_loop3A_110 = arith.index_cast %parallel_loop3A_109 : i32 to index
      %parallel_loop3A_111 = tpu.vector_load %arg4[%parallel_loop3A_110] {strides = array<i32>} : memref<25600xi32, #tpu.memory_space<vmem>>, vector<16xi32>,
      %parallel_loop3A_112 = tpu.memref_slice %arg5[%parallel_loop3A_62] : memref<16384xf32, #tpu.memory_space<vmem>> -> memref<128xf32, #tpu.memory_space<vmem>>
      tpu.vector_store_idx %parallel_loop3A_112[%parallel_loop3A_111], %broadcast_in_dim3A_26 {add = true} : memref<128xf32, #tpu.memory_space<vmem>>[vector<16xi32>], vector<16xf32>,
      %parallel_loop3A_113 = arith.constant 160 : i32
      %parallel_loop3A_114 = arith.addi %parallel_loop3A_60, %parallel_loop3A_113 : i32
      %parallel_loop3A_115 = arith.index_cast %parallel_loop3A_114 : i32 to index
      %parallel_loop3A_116 = tpu.vector_load %arg4[%parallel_loop3A_115] {strides = array<i32>} : memref<25600xi32, #tpu.memory_space<vmem>>, vector<16xi32>,
      %parallel_loop3A_117 = tpu.memref_slice %arg5[%parallel_loop3A_62] : memref<16384xf32, #tpu.memory_space<vmem>> -> memref<128xf32, #tpu.memory_space<vmem>>
      tpu.vector_store_idx %parallel_loop3A_117[%parallel_loop3A_116], %broadcast_in_dim3A_26 {add = true} : memref<128xf32, #tpu.memory_space<vmem>>[vector<16xi32>], vector<16xf32>,
      %parallel_loop3A_118 = arith.constant 176 : i32
      %parallel_loop3A_119 = arith.addi %parallel_loop3A_60, %parallel_loop3A_118 : i32
      %parallel_loop3A_120 = arith.index_cast %parallel_loop3A_119 : i32 to index
      %parallel_loop3A_121 = tpu.vector_load %arg4[%parallel_loop3A_120] {strides = array<i32>} : memref<25600xi32, #tpu.memory_space<vmem>>, vector<16xi32>,
      %parallel_loop3A_122 = tpu.memref_slice %arg5[%parallel_loop3A_62] : memref<16384xf32, #tpu.memory_space<vmem>> -> memref<128xf32, #tpu.memory_space<vmem>>
      tpu.vector_store_idx %parallel_loop3A_122[%parallel_loop3A_121], %broadcast_in_dim3A_26 {add = true} : memref<128xf32, #tpu.memory_space<vmem>>[vector<16xi32>], vector<16xf32>,
      %parallel_loop3A_123 = arith.constant 192 : i32
      %parallel_loop3A_124 = arith.addi %parallel_loop3A_60, %parallel_loop3A_123 : i32
      %parallel_loop3A_125 = arith.index_cast %parallel_loop3A_124 : i32 to index
      %parallel_loop3A_126 = tpu.vector_load %arg4[%parallel_loop3A_125] {strides = array<i32>} : memref<25600xi32, #tpu.memory_space<vmem>>, vector<16xi32>,
      %parallel_loop3A_127 = tpu.memref_slice %arg5[%parallel_loop3A_62] : memref<16384xf32, #tpu.memory_space<vmem>> -> memref<128xf32, #tpu.memory_space<vmem>>
      tpu.vector_store_idx %parallel_loop3A_127[%parallel_loop3A_126], %broadcast_in_dim3A_26 masked %lt3A_24 {add = true} : memref<128xf32, #tpu.memory_space<vmem>>[vector<16xi32>], vector<16xf32>, vector<16xi1>
    } {sc.loop_unroll_factor = 8 : i64, sc.parallel_access}
    %dma_start3A_35 = arith.constant 0 : i32
    %dma_start3A_36 = tpu.memref_slice %arg5[%dma_start3A_35] : memref<16384xf32, #tpu.memory_space<vmem>> -> memref<8192xf32, #tpu.memory_space<vmem>>
    %dma_start3A_37 = tpu.memref_slice %arg3[%mul3A_4] : memref<524288xf32, #tpu.memory_space<hbm>> -> memref<8192xf32, #tpu.memory_space<hbm>>
    %dma_start3A_38 = tpu.memref_slice %arg3[%mul3A_4] : memref<524288xf32, #tpu.memory_space<hbm>> -> memref<8192xf32, #tpu.memory_space<hbm>>
    %dma_start3A_39 = arith.constant 0 : i32
    %dma_start3A_40 = tpu.memref_slice %arg5[%dma_start3A_39] : memref<16384xf32, #tpu.memory_space<vmem>> -> memref<8192xf32, #tpu.memory_space<vmem>>
    tpu.enqueue_dma source(%dma_start3A_40 : memref<8192xf32, #tpu.memory_space<vmem>>) target(%dma_start3A_38 : memref<8192xf32, #tpu.memory_space<hbm>>) target_semaphore(%arg8 : memref<!tpu.dma_semaphore, #tpu.memory_space<semaphore_mem>>)
    %dma_wait3A_41 = arith.constant 12800 : i32
    %dma_wait3A_42 = tpu.memref_slice %arg4[%dma_wait3A_41] : memref<25600xi32, #tpu.memory_space<vmem>> -> memref<12800xi32, #tpu.memory_space<vmem>>
    %dma_wait3A_43 = tpu.memref_slice %arg2[%add3A_11] : memref<819200xi32, #tpu.memory_space<hbm>> -> memref<12800xi32, #tpu.memory_space<hbm>>
    %dma_wait3A_44 = arith.constant 12800 : i32
    %dma_wait3A_45 = tpu.memref_slice %arg4[%dma_wait3A_44] : memref<25600xi32, #tpu.memory_space<vmem>> -> memref<12800xi32, #tpu.memory_space<vmem>>
    %dma_wait3A_46 = tpu.memref_slice %arg2[%add3A_11] : memref<819200xi32, #tpu.memory_space<hbm>> -> memref<12800xi32, #tpu.memory_space<hbm>>
    tpu.wait_dma2 semaphore(%arg7 : memref<!tpu.dma_semaphore, #tpu.memory_space<semaphore_mem>>) src(%dma_wait3A_46 : memref<12800xi32, #tpu.memory_space<hbm>>) dst(%dma_wait3A_45 : memref<12800xi32, #tpu.memory_space<vmem>>)
    %parallel_loop3A_47 = arith.constant 64 : i32
    %parallel_loop3A_48 = arith.constant 128 : i32
    %parallel_loop3A_49 = arith.constant 1 : i32
    scf.for %parallel_loop3A_58 = %parallel_loop3A_47 to %parallel_loop3A_48 step %parallel_loop3A_49  : i32 {
      %parallel_loop3A_59 = arith.constant 200 : i32
      %parallel_loop3A_60 = arith.muli %parallel_loop3A_58, %parallel_loop3A_59 : i32
      %parallel_loop3A_61 = arith.constant 128 : i32
      %parallel_loop3A_62 = arith.muli %parallel_loop3A_58, %parallel_loop3A_61 : i32
      %parallel_loop3A_63 = arith.constant 0 : i32
      %parallel_loop3A_64 = arith.addi %parallel_loop3A_60, %parallel_loop3A_63 : i32
      %parallel_loop3A_65 = arith.index_cast %parallel_loop3A_64 : i32 to index
      %parallel_loop3A_66 = tpu.vector_load %arg4[%parallel_loop3A_65] {strides = array<i32>} : memref<25600xi32, #tpu.memory_space<vmem>>, vector<16xi32>,
      %parallel_loop3A_67 = tpu.memref_slice %arg5[%parallel_loop3A_62] : memref<16384xf32, #tpu.memory_space<vmem>> -> memref<128xf32, #tpu.memory_space<vmem>>
      tpu.vector_store_idx %parallel_loop3A_67[%parallel_loop3A_66], %broadcast_in_dim3A_26 masked %ge3A_22 {add = true} : memref<128xf32, #tpu.memory_space<vmem>>[vector<16xi32>], vector<16xf32>, vector<16xi1>
      %parallel_loop3A_68 = arith.constant 16 : i32
      %parallel_loop3A_69 = arith.addi %parallel_loop3A_60, %parallel_loop3A_68 : i32
      %parallel_loop3A_70 = arith.index_cast %parallel_loop3A_69 : i32 to index
      %parallel_loop3A_71 = tpu.vector_load %arg4[%parallel_loop3A_70] {strides = array<i32>} : memref<25600xi32, #tpu.memory_space<vmem>>, vector<16xi32>,
      %parallel_loop3A_72 = tpu.memref_slice %arg5[%parallel_loop3A_62] : memref<16384xf32, #tpu.memory_space<vmem>> -> memref<128xf32, #tpu.memory_space<vmem>>
      tpu.vector_store_idx %parallel_loop3A_72[%parallel_loop3A_71], %broadcast_in_dim3A_26 {add = true} : memref<128xf32, #tpu.memory_space<vmem>>[vector<16xi32>], vector<16xf32>,
      %parallel_loop3A_73 = arith.constant 32 : i32
      %parallel_loop3A_74 = arith.addi %parallel_loop3A_60, %parallel_loop3A_73 : i32
      %parallel_loop3A_75 = arith.index_cast %parallel_loop3A_74 : i32 to index
      %parallel_loop3A_76 = tpu.vector_load %arg4[%parallel_loop3A_75] {strides = array<i32>} : memref<25600xi32, #tpu.memory_space<vmem>>, vector<16xi32>,
      %parallel_loop3A_77 = tpu.memref_slice %arg5[%parallel_loop3A_62] : memref<16384xf32, #tpu.memory_space<vmem>> -> memref<128xf32, #tpu.memory_space<vmem>>
      tpu.vector_store_idx %parallel_loop3A_77[%parallel_loop3A_76], %broadcast_in_dim3A_26 {add = true} : memref<128xf32, #tpu.memory_space<vmem>>[vector<16xi32>], vector<16xf32>,
      %parallel_loop3A_78 = arith.constant 48 : i32
      %parallel_loop3A_79 = arith.addi %parallel_loop3A_60, %parallel_loop3A_78 : i32
      %parallel_loop3A_80 = arith.index_cast %parallel_loop3A_79 : i32 to index
      %parallel_loop3A_81 = tpu.vector_load %arg4[%parallel_loop3A_80] {strides = array<i32>} : memref<25600xi32, #tpu.memory_space<vmem>>, vector<16xi32>,
      %parallel_loop3A_82 = tpu.memref_slice %arg5[%parallel_loop3A_62] : memref<16384xf32, #tpu.memory_space<vmem>> -> memref<128xf32, #tpu.memory_space<vmem>>
      tpu.vector_store_idx %parallel_loop3A_82[%parallel_loop3A_81], %broadcast_in_dim3A_26 {add = true} : memref<128xf32, #tpu.memory_space<vmem>>[vector<16xi32>], vector<16xf32>,
      %parallel_loop3A_83 = arith.constant 64 : i32
      %parallel_loop3A_84 = arith.addi %parallel_loop3A_60, %parallel_loop3A_83 : i32
      %parallel_loop3A_85 = arith.index_cast %parallel_loop3A_84 : i32 to index
      %parallel_loop3A_86 = tpu.vector_load %arg4[%parallel_loop3A_85] {strides = array<i32>} : memref<25600xi32, #tpu.memory_space<vmem>>, vector<16xi32>,
      %parallel_loop3A_87 = tpu.memref_slice %arg5[%parallel_loop3A_62] : memref<16384xf32, #tpu.memory_space<vmem>> -> memref<128xf32, #tpu.memory_space<vmem>>
      tpu.vector_store_idx %parallel_loop3A_87[%parallel_loop3A_86], %broadcast_in_dim3A_26 {add = true} : memref<128xf32, #tpu.memory_space<vmem>>[vector<16xi32>], vector<16xf32>,
      %parallel_loop3A_88 = arith.constant 80 : i32
      %parallel_loop3A_89 = arith.addi %parallel_loop3A_60, %parallel_loop3A_88 : i32
      %parallel_loop3A_90 = arith.index_cast %parallel_loop3A_89 : i32 to index
      %parallel_loop3A_91 = tpu.vector_load %arg4[%parallel_loop3A_90] {strides = array<i32>} : memref<25600xi32, #tpu.memory_space<vmem>>, vector<16xi32>,
      %parallel_loop3A_92 = tpu.memref_slice %arg5[%parallel_loop3A_62] : memref<16384xf32, #tpu.memory_space<vmem>> -> memref<128xf32, #tpu.memory_space<vmem>>
      tpu.vector_store_idx %parallel_loop3A_92[%parallel_loop3A_91], %broadcast_in_dim3A_26 {add = true} : memref<128xf32, #tpu.memory_space<vmem>>[vector<16xi32>], vector<16xf32>,
      %parallel_loop3A_93 = arith.constant 96 : i32
      %parallel_loop3A_94 = arith.addi %parallel_loop3A_60, %parallel_loop3A_93 : i32
      %parallel_loop3A_95 = arith.index_cast %parallel_loop3A_94 : i32 to index
      %parallel_loop3A_96 = tpu.vector_load %arg4[%parallel_loop3A_95] {strides = array<i32>} : memref<25600xi32, #tpu.memory_space<vmem>>, vector<16xi32>,
      %parallel_loop3A_97 = tpu.memref_slice %arg5[%parallel_loop3A_62] : memref<16384xf32, #tpu.memory_space<vmem>> -> memref<128xf32, #tpu.memory_space<vmem>>
      tpu.vector_store_idx %parallel_loop3A_97[%parallel_loop3A_96], %broadcast_in_dim3A_26 {add = true} : memref<128xf32, #tpu.memory_space<vmem>>[vector<16xi32>], vector<16xf32>,
      %parallel_loop3A_98 = arith.constant 112 : i32
      %parallel_loop3A_99 = arith.addi %parallel_loop3A_60, %parallel_loop3A_98 : i32
      %parallel_loop3A_100 = arith.index_cast %parallel_loop3A_99 : i32 to index
      %parallel_loop3A_101 = tpu.vector_load %arg4[%parallel_loop3A_100] {strides = array<i32>} : memref<25600xi32, #tpu.memory_space<vmem>>, vector<16xi32>,
      %parallel_loop3A_102 = tpu.memref_slice %arg5[%parallel_loop3A_62] : memref<16384xf32, #tpu.memory_space<vmem>> -> memref<128xf32, #tpu.memory_space<vmem>>
      tpu.vector_store_idx %parallel_loop3A_102[%parallel_loop3A_101], %broadcast_in_dim3A_26 {add = true} : memref<128xf32, #tpu.memory_space<vmem>>[vector<16xi32>], vector<16xf32>,
      %parallel_loop3A_103 = arith.constant 128 : i32
      %parallel_loop3A_104 = arith.addi %parallel_loop3A_60, %parallel_loop3A_103 : i32
      %parallel_loop3A_105 = arith.index_cast %parallel_loop3A_104 : i32 to index
      %parallel_loop3A_106 = tpu.vector_load %arg4[%parallel_loop3A_105] {strides = array<i32>} : memref<25600xi32, #tpu.memory_space<vmem>>, vector<16xi32>,
      %parallel_loop3A_107 = tpu.memref_slice %arg5[%parallel_loop3A_62] : memref<16384xf32, #tpu.memory_space<vmem>> -> memref<128xf32, #tpu.memory_space<vmem>>
      tpu.vector_store_idx %parallel_loop3A_107[%parallel_loop3A_106], %broadcast_in_dim3A_26 {add = true} : memref<128xf32, #tpu.memory_space<vmem>>[vector<16xi32>], vector<16xf32>,
      %parallel_loop3A_108 = arith.constant 144 : i32
      %parallel_loop3A_109 = arith.addi %parallel_loop3A_60, %parallel_loop3A_108 : i32
      %parallel_loop3A_110 = arith.index_cast %parallel_loop3A_109 : i32 to index
      %parallel_loop3A_111 = tpu.vector_load %arg4[%parallel_loop3A_110] {strides = array<i32>} : memref<25600xi32, #tpu.memory_space<vmem>>, vector<16xi32>,
      %parallel_loop3A_112 = tpu.memref_slice %arg5[%parallel_loop3A_62] : memref<16384xf32, #tpu.memory_space<vmem>> -> memref<128xf32, #tpu.memory_space<vmem>>
      tpu.vector_store_idx %parallel_loop3A_112[%parallel_loop3A_111], %broadcast_in_dim3A_26 {add = true} : memref<128xf32, #tpu.memory_space<vmem>>[vector<16xi32>], vector<16xf32>,
      %parallel_loop3A_113 = arith.constant 160 : i32
      %parallel_loop3A_114 = arith.addi %parallel_loop3A_60, %parallel_loop3A_113 : i32
      %parallel_loop3A_115 = arith.index_cast %parallel_loop3A_114 : i32 to index
      %parallel_loop3A_116 = tpu.vector_load %arg4[%parallel_loop3A_115] {strides = array<i32>} : memref<25600xi32, #tpu.memory_space<vmem>>, vector<16xi32>,
      %parallel_loop3A_117 = tpu.memref_slice %arg5[%parallel_loop3A_62] : memref<16384xf32, #tpu.memory_space<vmem>> -> memref<128xf32, #tpu.memory_space<vmem>>
      tpu.vector_store_idx %parallel_loop3A_117[%parallel_loop3A_116], %broadcast_in_dim3A_26 {add = true} : memref<128xf32, #tpu.memory_space<vmem>>[vector<16xi32>], vector<16xf32>,
      %parallel_loop3A_118 = arith.constant 176 : i32
      %parallel_loop3A_119 = arith.addi %parallel_loop3A_60, %parallel_loop3A_118 : i32
      %parallel_loop3A_120 = arith.index_cast %parallel_loop3A_119 : i32 to index
      %parallel_loop3A_121 = tpu.vector_load %arg4[%parallel_loop3A_120] {strides = array<i32>} : memref<25600xi32, #tpu.memory_space<vmem>>, vector<16xi32>,
      %parallel_loop3A_122 = tpu.memref_slice %arg5[%parallel_loop3A_62] : memref<16384xf32, #tpu.memory_space<vmem>> -> memref<128xf32, #tpu.memory_space<vmem>>
      tpu.vector_store_idx %parallel_loop3A_122[%parallel_loop3A_121], %broadcast_in_dim3A_26 {add = true} : memref<128xf32, #tpu.memory_space<vmem>>[vector<16xi32>], vector<16xf32>,
      %parallel_loop3A_123 = arith.constant 192 : i32
      %parallel_loop3A_124 = arith.addi %parallel_loop3A_60, %parallel_loop3A_123 : i32
      %parallel_loop3A_125 = arith.index_cast %parallel_loop3A_124 : i32 to index
      %parallel_loop3A_126 = tpu.vector_load %arg4[%parallel_loop3A_125] {strides = array<i32>} : memref<25600xi32, #tpu.memory_space<vmem>>, vector<16xi32>,
      %parallel_loop3A_127 = tpu.memref_slice %arg5[%parallel_loop3A_62] : memref<16384xf32, #tpu.memory_space<vmem>> -> memref<128xf32, #tpu.memory_space<vmem>>
      tpu.vector_store_idx %parallel_loop3A_127[%parallel_loop3A_126], %broadcast_in_dim3A_26 masked %lt3A_24 {add = true} : memref<128xf32, #tpu.memory_space<vmem>>[vector<16xi32>], vector<16xf32>, vector<16xi1>
    } {sc.loop_unroll_factor = 8 : i64, sc.parallel_access}
    %dma_wait3A_50 = arith.constant 0 : i32
    %dma_wait3A_51 = tpu.memref_slice %arg5[%dma_wait3A_50] : memref<16384xf32, #tpu.memory_space<vmem>> -> memref<8192xf32, #tpu.memory_space<vmem>>
    %dma_wait3A_52 = tpu.memref_slice %arg3[%mul3A_4] : memref<524288xf32, #tpu.memory_space<hbm>> -> memref<8192xf32, #tpu.memory_space<hbm>>
    %dma_wait3A_53 = tpu.memref_slice %arg3[%mul3A_4] : memref<524288xf32, #tpu.memory_space<hbm>> -> memref<8192xf32, #tpu.memory_space<hbm>>
    %dma_wait3A_54 = arith.constant 0 : i32
    %dma_wait3A_55 = tpu.memref_slice %arg5[%dma_wait3A_54] : memref<16384xf32, #tpu.memory_space<vmem>> -> memref<8192xf32, #tpu.memory_space<vmem>>
    tpu.wait_dma2 semaphore(%arg8 : memref<!tpu.dma_semaphore, #tpu.memory_space<semaphore_mem>>) src(%dma_wait3A_55 : memref<8192xf32, #tpu.memory_space<vmem>>) dst(%dma_wait3A_53 : memref<8192xf32, #tpu.memory_space<hbm>>)
    %add3A_56 = arith.constant 8192 : i32
    %add3A_57 = arith.addi %mul3A_4, %add3A_56 : i32
    "tpu.region"() ({
      %run_scoped3A = tpu.sem_alloc : memref<!tpu.dma_semaphore, #tpu.memory_space<semaphore_mem>>
      %dma_start3A_58 = arith.constant 8192 : i32
      %dma_start3A_59 = tpu.memref_slice %arg5[%dma_start3A_58] : memref<16384xf32, #tpu.memory_space<vmem>> -> memref<8192xf32, #tpu.memory_space<vmem>>
      %dma_start3A_60 = tpu.memref_slice %arg3[%add3A_57] : memref<524288xf32, #tpu.memory_space<hbm>> -> memref<8192xf32, #tpu.memory_space<hbm>>
      %dma_start3A_61 = tpu.memref_slice %arg3[%add3A_57] : memref<524288xf32, #tpu.memory_space<hbm>> -> memref<8192xf32, #tpu.memory_space<hbm>>
      %dma_start3A_62 = arith.constant 8192 : i32
      %dma_start3A_63 = tpu.memref_slice %arg5[%dma_start3A_62] : memref<16384xf32, #tpu.memory_space<vmem>> -> memref<8192xf32, #tpu.memory_space<vmem>>
      tpu.enqueue_dma source(%dma_start3A_63 : memref<8192xf32, #tpu.memory_space<vmem>>) target(%dma_start3A_61 : memref<8192xf32, #tpu.memory_space<hbm>>) target_semaphore(%run_scoped3A : memref<!tpu.dma_semaphore, #tpu.memory_space<semaphore_mem>>)
      %dma_wait3A_64 = arith.constant 8192 : i32
      %dma_wait3A_65 = tpu.memref_slice %arg5[%dma_wait3A_64] : memref<16384xf32, #tpu.memory_space<vmem>> -> memref<8192xf32, #tpu.memory_space<vmem>>
      %dma_wait3A_66 = tpu.memref_slice %arg3[%add3A_57] : memref<524288xf32, #tpu.memory_space<hbm>> -> memref<8192xf32, #tpu.memory_space<hbm>>
      %dma_wait3A_67 = tpu.memref_slice %arg3[%add3A_57] : memref<524288xf32, #tpu.memory_space<hbm>> -> memref<8192xf32, #tpu.memory_space<hbm>>
      %dma_wait3A_68 = arith.constant 8192 : i32
      %dma_wait3A_69 = tpu.memref_slice %arg5[%dma_wait3A_68] : memref<16384xf32, #tpu.memory_space<vmem>> -> memref<8192xf32, #tpu.memory_space<vmem>>
      tpu.wait_dma2 semaphore(%run_scoped3A : memref<!tpu.dma_semaphore, #tpu.memory_space<semaphore_mem>>) src(%dma_wait3A_69 : memref<8192xf32, #tpu.memory_space<vmem>>) dst(%dma_wait3A_67 : memref<8192xf32, #tpu.memory_space<hbm>>)
      tpu.yield
    }) : () -> ()
    return
  }
}

module attributes {stable_mosaic.version = 14 : i64} {
  func.func @_tc_body(%arg0: i32, %arg1: memref<2048x128xf32, #tpu.memory_space<vmem>>, %arg2: memref<128x128xf32, #tpu.memory_space<vmem>>, %arg3: memref<1x128xf32, #tpu.memory_space<vmem>>, %arg4: memref<2048x128xf32, #tpu.memory_space<vmem>>) attributes {dimension_semantics = [#tpu.dimension_semantics<arbitrary>], iteration_bounds = array<i64: 2>, scalar_prefetch = 0 : i64, scratch_operands = 0 : i64, tpu.core_type = #tpu.core_type<tc>, window_params = [{transform_indices = @transform_0, window_bounds = array<i64: 2048, 128>}, {pipeline_mode = #tpu.pipeline_mode<synchronous>, transform_indices = @transform_1, window_bounds = array<i64: 128, 128>}, {pipeline_mode = #tpu.pipeline_mode<synchronous>, transform_indices = @transform_2, window_bounds = array<i64: 1, 128>}, {transform_indices = @transform_3, window_bounds = array<i64: 2048, 128>}]} {
    %get3A = arith.constant 0 : index
    %get3A_0 = arith.constant 0 : index
    %get3A_1 = vector.load %arg1[%get3A, %get3A_0] : memref<2048x128xf32, #tpu.memory_space<vmem>>, vector<2048x128xf32>
    %get3A_2 = arith.constant 0 : index
    %get3A_3 = arith.constant 0 : index
    %get3A_4 = vector.load %arg2[%get3A_2, %get3A_3] : memref<128x128xf32, #tpu.memory_space<vmem>>, vector<128x128xf32>
    %dot_general3A = arith.constant dense<0.000000e+00> : vector<2048x128xf32>
    %dot_general3A_5 = tpu.matmul %get3A_1, %get3A_4, %dot_general3A {dimension_numbers = #tpu.dot_dimension_numbers<[1], [1], [0], [0], [0, 0, 1, 0], [], []>, transpose_lhs_hint = false} : vector<2048x128xf32>, vector<128x128xf32>, vector<2048x128xf32> -> vector<2048x128xf32>
    %get3A_6 = arith.constant 0 : index
    %get3A_7 = arith.constant 0 : index
    %get3A_8 = vector.load %arg3[%get3A_6, %get3A_7] : memref<1x128xf32, #tpu.memory_space<vmem>>, vector<1x128xf32>
    %add3A = vector.broadcast %get3A_8 : vector<1x128xf32> to vector<2048x128xf32>
    %add3A_9 = arith.addf %dot_general3A_5, %add3A : vector<2048x128xf32>
    %swap3A = arith.constant 0 : index
    %swap3A_10 = arith.constant 0 : index
    %swap3A_11 = vector.load %arg4[%swap3A, %swap3A_10] : memref<2048x128xf32, #tpu.memory_space<vmem>>, vector<2048x128xf32>
    tpu.vector_store %arg4[%swap3A, %swap3A_10], %add3A_9 {strides = array<i32>} : memref<2048x128xf32, #tpu.memory_space<vmem>>, vector<2048x128xf32>,
    return
  }
  func.func @transform_0(%arg0: i32) -> (i32, i32) {
    %c0_i32 = arith.constant 0 : i32
    %c0_i32_0 = arith.constant 0 : i32
    return %arg0, %c0_i32 : i32, i32
  }
  func.func @transform_1(%arg0: i32) -> (i32, i32) {
    %c0_i32 = arith.constant 0 : i32
    %c0_i32_0 = arith.constant 0 : i32
    %c0_i32_1 = arith.constant 0 : i32
    return %c0_i32, %c0_i32_0 : i32, i32
  }
  func.func @transform_2(%arg0: i32) -> (i32, i32) {
    %c0_i32 = arith.constant 0 : i32
    %c0_i32_0 = arith.constant 0 : i32
    %c0_i32_1 = arith.constant 0 : i32
    return %c0_i32, %c0_i32_0 : i32, i32
  }
  func.func @transform_3(%arg0: i32) -> (i32, i32) {
    %c0_i32 = arith.constant 0 : i32
    %c0_i32_0 = arith.constant 0 : i32
    return %arg0, %c0_i32 : i32, i32
  }
}

</mosaic_0001>

<sc_bundles>
// kernel: kernel.4.cloned.1.call-start
scs
__scs_entry_jumppad:
0x0: {  	(pc) =	sbr.rel $0x88, $3  }
0x1: {  	(tag) =	ssettag $0x0;
	lr =	simm.s32 $0x1  }
0x2: {  	[smem:$0x3F9E] =	sst lr;
	_ =	strace $0xD0000000  }
0x3: {  	_ = 	snop  }
0x4: {  	_ = 	snop  }
0x5: {  	_ = 	snop  }
0x6: {  	_ = 	snop  }
0x7: {  	_ = 	snop  }
__scs_overlays_trampoline_lowered:
0x8: {  	[smem:$0x3FAD] =	sst s0  }
0x9: {  	[smem:$0x3FAE] =	sst s1  }
0xa: {  	[smem:$0x3FAF] =	sst s2  }
0xb: {  	[smem:$0x3FB0] =	sst s3  }
0xc: {  	[smem:$0x3FB1] =	sst s4  }
0xd: {  	[smem:$0x3FB2] =	sst s5  }
0xe: {  	[smem:$0x3FB3] =	sst s6  }
0xf: {  	[smem:$0x3FB4] =	sst s7  }
0x10: {  	[smem:$0x3FB5] =	sst s8  }
0x11: {  	[smem:$0x3FB6] =	sst s9;
	s0 =	simm.s32 @!p0 $0x0  }
0x12: {  	s1 =	sld [smem:$0x3F9C];
	s0 =	simm.s32 @p0 $0x1  }
0x13: {  	[smem:$0x3FB7] =	sst s0;
	s0 =	simm.s32 @!p1 $0x0  }
0x14: {  	s2 =	sld [smem:$0x3F9B];
	s0 =	simm.s32 @p1 $0x1  }
0x15: {  	[smem:$0x3FB8] =	sst s0;
	s0 =	simm.s32 @!p2 $0x0  }
0x16: {  	s3 =	sld [smem:$0x3FDB];
	s0 =	simm.s32 @p2 $0x1  }
0x17: {  	s4 =	simm.s32 $0x1BF5;
	[smem:$0x3FBA] =	sst s0  }
0x18: {  	s0 =	sld [smem:$0x3F9D];
	_ =	swait.ge [sflag:s4], $0x0  }
0x19: {  	s7 =	sld [smem:$0x3F9E]  }
0x1a: {  	s8 =	sadd.s32 $0xFFFFE003, lr  }
0x1b: {  	s9 =	sadd.s32 $0xFFFFFEF7, lr;
	s5 =	simm.s32 $0xFFFFFFFF;
	p2 =	slt.u32 s8, $0xFFFFF086  }
0x1c: {  	p1 =	slt.u32 s9, $0xF7A;
	s5 =	simm.s32 @!p2 $0x0  }
0x1d: {  	s5 =	simm.s32 @p1 $0x1;
	p0 =	seq.s32 s7, s2  }
0x1e: {  	s7 =	smul.u32 @!p0 $0xF7A, s2;
	p2 =	seq.s32 @!p0 s5, $0x0  }
0x1f: {  	s9 =	smul.u32 $0xF7A, s1;
	s8 =	simm.s32 @!p0 $0x1BF5;
	p2 =	por !p2, p0  }
0x20: {  	[sflag:s8] =	ssyncset.s32 @!p0 $0xFFFFF086;
	s6 =	sadd.s32 @!p0 s3, s7;
	s7 =	simm.s32 @!p0 $0x108  }
0x21: {  	s3 =	sadd.s32 s3, s9;
	s6 =	sadd.s32 @!p0 $0x88, s6;
	s7 =	simm.s32 @p2 $0x1082  }
0x22: {  	[simem:s7], [sflag:s8] =	dma.local @!p0 [hbm:s6], $0xF7A  }
0x23: {  	s9 =	sor.u32 $0xD0000000, s2;
	s6 =	simm.s32 $0x108;
	_ =	swait.ge @!p0 [sflag:s8], $0x0  }
0x24: {  	s3 =	sadd.s32 $0x88, s3;
	s6 =	simm.s32 @!p1 $0x1082;
	[sflag:s4] =	ssyncset.s32 $0xFFFFF086  }
0x25: {  	[simem:s6], [sflag:s4] =	dma.local [hbm:s3], $0xF7A  }
0x26: {  	[smem:$0x3F9E] =	sst s1;
	(tag) =	ssettag s2;
	_ =	strace s9  }
0x27: {  	s1 =	sld [smem:$0x3FAE]  }
0x28: {  	s2 =	sld [smem:$0x3FAF]  }
0x29: {  	s4 =	sld [smem:$0x3FB1]  }
0x2a: {  	p0 =	seq.s32 s5, $0x0;
	s5 =	sld [smem:$0x3FB2]  }
0x2b: {  	s6 =	sld [smem:$0x3FB3]  }
0x2c: {  	s7 =	sld [smem:$0x3FB4]  }
0x2d: {  	s3 =	simm.s32 $0x108;
	s8 =	sld [smem:$0x3FB5]  }
0x2e: {  	s3 =	simm.s32 @!p0 $0x1082;
	s9 =	sld [smem:$0x3FB6]  }
0x2f: {  	lr =	sadd.s32 s0, s3;
	s0 =	sld [smem:$0x3FAD]  }
0x30: {  	s3 =	sld [smem:$0x3FB0]  }
0x31: {  	[smem:$0x3FB9] =	sst s10  }
0x32: {  	s10 =	sld [smem:$0x3FB7];
	_ =	sdelay $0x3  }
0x33: {  	p0 =	seq.s32 s10, $0x1;
	s10 =	sld [smem:$0x3FB9];
	_ =	sdelay $0x3  }
0x34: {  	[smem:$0x3FB9] =	sst s10  }
0x35: {  	s10 =	sld [smem:$0x3FB8];
	_ =	sdelay $0x3  }
0x36: {  	p1 =	seq.s32 s10, $0x1;
	s10 =	sld [smem:$0x3FB9];
	_ =	sdelay $0x3  }
0x37: {  	[smem:$0x3FB9] =	sst s10  }
0x38: {  	s10 =	sld [smem:$0x3FBA]  }
0x39: {  	_ = 	snop;
	(pc) =	sbr.ind lr, $3  }
0x3a: {  	_ = 	snop  }
0x3b: {  	_ = 	snop  }
0x3c: {  	p2 =	seq.s32 s10, $0x1;
	s10 =	sld [smem:$0x3FB9]  }
0x3d: {  	_ =	shalt  }
0x3e: {  	_ =	shalt  }
0x3f: {  	_ =	shalt  }
0x40: {  	_ =	shalt  }
0x41: {  	_ =	shalt  }
0x42: {  	_ =	shalt  }
0x43: {  	_ =	shalt  }
0x44: {  	_ =	shalt  }
0x45: {  	_ =	shalt  }
0x46: {  	_ =	shalt  }
0x47: {  	_ =	shalt  }
0x48: {  	_ =	shalt  }
0x49: {  	_ =	shalt  }
0x4a: {  	_ =	shalt  }
0x4b: {  	_ =	shalt  }
0x4c: {  	_ =	shalt  }
0x4d: {  	_ =	shalt  }
0x4e: {  	_ =	shalt  }
0x4f: {  	_ =	shalt  }
0x50: {  	_ =	shalt  }
0x51: {  	_ =	shalt  }
0x52: {  	_ =	shalt  }
0x53: {  	_ =	shalt  }
0x54: {  	_ =	shalt  }
0x55: {  	_ =	shalt  }
0x56: {  	_ =	shalt  }
0x57: {  	_ =	shalt  }
0x58: {  	_ =	shalt  }
0x59: {  	_ =	shalt  }
0x5a: {  	_ =	shalt  }
0x5b: {  	_ =	shalt  }
0x5c: {  	_ =	shalt  }
0x5d: {  	_ =	shalt  }
0x5e: {  	_ =	shalt  }
0x5f: {  	_ =	shalt  }
0x60: {  	_ =	shalt  }
0x61: {  	_ =	shalt  }
0x62: {  	_ =	shalt  }
0x63: {  	_ =	shalt  }
0x64: {  	_ =	shalt  }
0x65: {  	_ =	shalt  }
0x66: {  	_ =	shalt  }
0x67: {  	_ =	shalt  }
0x68: {  	_ =	shalt  }
0x69: {  	_ =	shalt  }
0x6a: {  	_ =	shalt  }
0x6b: {  	_ =	shalt  }
0x6c: {  	_ =	shalt  }
0x6d: {  	_ =	shalt  }
0x6e: {  	_ =	shalt  }
0x6f: {  	_ =	shalt  }
0x70: {  	_ =	shalt  }
0x71: {  	_ =	shalt  }
0x72: {  	_ =	shalt  }
0x73: {  	_ =	shalt  }
0x74: {  	_ =	shalt  }
0x75: {  	_ =	shalt  }
0x76: {  	_ =	shalt  }
0x77: {  	_ =	shalt  }
0x78: {  	_ =	shalt  }
0x79: {  	_ =	shalt  }
0x7a: {  	_ =	shalt  }
0x7b: {  	_ =	shalt  }
0x7c: {  	_ =	shalt  }
0x7d: {  	_ =	shalt  }
0x7e: {  	_ =	shalt  }
0x7f: {  	_ =	shalt  }
0x80: {  	_ =	shalt  }
0x81: {  	_ =	shalt  }
0x82: {  	_ =	shalt  }
0x83: {  	_ =	shalt  }
0x84: {  	_ =	shalt  }
0x85: {  	_ =	shalt  }
0x86: {  	_ =	shalt  }
0x87: {  	_ =	shalt  }
.Lfunc_end0:
.L_simem_size_0:
called_computation_lowered:
.L_overlay_start_0:
0x88: {  	s2 =	sld [smem:$0x3FD9]  }
0x89: {  	s3 =	sld [smem:$0x3FFE];
	_ =	sdelay $0x1  }
0x8a: {  	s1 =	srdreg.scid  }
0x8b: {  	s0 =	sand.u32 $0x1, s1  }
0x8c: {  	s17 =	sshll.u32 s0, $0xA;
	s2 =	sadd.s32 s3, s2  }
0x8d: {  	s2 =	sadd.s32 s2, s17  }
0x8e: {  	[smem:$0x3FC5] =	sst s2  }
0x8f: {  	_ = 	snop  }
0x90: {  	s2 =	sld [smem:$0x3FD0];
	(tm) =	ssettm $0x1  }
0x91: {  	s18 =	sld [smem:$0x3FFB];
	_ =	sdelay $0x3  }
0x92: {  	_ =	strace s18  }
0x93: {  	s3 =	sld [smem:$0x3FFC];
	_ =	sdelay $0x3  }
0x94: {  	_ =	strace s3  }
0x95: {  	s3 =	sld [smem:$0x3FFD];
	_ =	sdelay $0x3  }
0x96: {  	_ =	strace s3  }
0x97: {  	_ =	strace $0x8FFFFFFF  }
0x98: {  	s19 =	sld [smem:$0x3FDB];
	_ =	sdelay $0x1  }
0x99: {  	s4 =	simm.s32 $_scs_section_size  }
0x9a: {  	s5 =	simm.s32 $_size__tile_overlayer_lowered;
	s6 =	simm.s32 $_tile_overlayer_lowered  }
0x9b: {  	s22 =	simm.s32 $0x1BFF;
	s21 =	sshll.u32 s6, $0x1;
	s3 =	sadd.s32 s4, s19  }
0x9c: {  	s7 =	simm.s32 $0x0;
	s20 =	sshll.u32 s5, $0x1;
	s5 =	sadd.s32 s21, s3  }
0x9d: {  	[timem:s7], [sflag:s22] =	dma.local [hbm:s5], s20  }
0x9e: {  	_ =	swait.ge [sflag:s22], s20  }
0x9f: {  	s4 =	ssub.s32 $0x0, s20;
	[sflag:s22] =	ssyncset.done $0x0  }
0xa0: {  	[sflag:s22] =	ssyncadd.s32 s4;
	_ =	sdelay $0x1  }
0xa1: {  	s23 =	simm.s32 $0x1B8B  }
0xa2: {  	_ =	swait.ge [sflag:s23], $0x1  }
0xa3: {  	[sflag:s23] =	ssyncset.done $0x0  }
0xa4: {  	s25 =	simm.s32 $0x1B8E;
	s24 =	sld [smem:$0x3FFE];
	[sflag:s23] =	ssyncadd.s32 $0xFFFFFFFF  }
0xa5: {  	s26 =	simm.s32 $execute0_lowered;
	[smem:$0x3FD2] =	sst s25  }
0xa6: {  	s5 =	sshll.u32 s26, $0x1;
	_ =	strace $0x80000046;
	[dreg:$0x1] =	wrdreg $0xFFFFFFFF  }
0xa7: {  	s28 =	simm.s32 $_size_execute0_lowered;
	s3 =	sadd.s32 s3, s5;
	[dreg:$0x0] =	wrdreg $0x0  }
0xa8: {  	s5 =	sshll.u32 s28, $0x1;
	[dreg:$0x2] =	wrdreg s3  }
0xa9: {  	[dreg:$0x3] =	wrdreg s5  }
0xaa: {  	[dreg:$0x4] =	wrdreg $0xC0  }
0xab: {  	_ =	task [dreg:s7], $0x5FFFF  }
0xac: {  	[dreg:$0x1] =	wrdreg $0xFFFFFFFF  }
0xad: {  	[dreg:$0x0] =	wrdreg $0x60  }
0xae: {  	[dreg:$0x2] =	wrdreg s24  }
0xaf: {  	[dreg:$0x3] =	wrdreg s2  }
0xb0: {  	[dreg:$0x4] =	wrdreg $0x9  }
0xb1: {  	_ =	task.clear_ibuf [dreg:s7], $0x5FFFF;
	_ =	strace $0x90000046  }
0xb2: {  	s29 =	simm.s32 $0x9;
	_ =	strace $0x80000048  }
0xb3: {  	_ =	swait.ge [sflag:s29], $0x1  }
0xb4: {  	[sflag:s29] =	ssyncadd.s32 $0xFFFFFFFF  }
0xb5: {  	_ =	strace $0x90000048  }
0xb6: {  	_ =	sfence  }
0xb7: {  	s30 =	sld [smem:$0x0];
	_ =	sdelay $0x2  }
0xb8: {  	s31 =	sshll.u32 s1, $0xD;
	s1 =	sshrl.u32 s1, $0x2  }
0xb9: {  	s3 =	sand.u32 $0x4000, s31;
	s1 =	sadd.s32 s1, s30  }
0xba: {  	s0 =	sor.u32 s3, s0;
	s1 =	sshll.u32 s1, $0x11  }
0xbb: {  	s0 =	sor.u32 s1, s0  }
0xbc: {  	s0 =	sadd.s32 $0x8F2B, s0  }
0xbd: {  	[sflag:s0] =	ssyncadd.remote.s32 $0x1  }
0xbe: {  	_ =	sfence.sel $0xFFFF  }
0xbf: {  	[dreg:$0x0] =	wrdreg $0xFFFFFFFF;
	(pc) =	sbr.abs _section_cstart, $3  }
0xc0: {  	[dreg:$0x1] =	wrdreg $0xFFFFFFFF  }
0xc1: {  	_ =	task.clear_ibuf [dreg:s7], $0x2FFFF;
	_ =	strace $0x9FFFFFFF  }
0xc2: {  	(tm) =	ssettm $0x7FFFFFFF  }
0xc3: {  	_ =	shalt  }
tec
execute0_lowered:
.L_overlay_start_1:
0x0: {  	(tag) =	ssettag $0x1  }
0x1: {  	s0 =	rddreg [dreg:$0x0];
	s1 =	srdreg.scid  }
0x2: {  	s2 =	stileid.u32;
	s3 =	rddreg [dreg:$0x1]  }
0x3: {  	s1 =	sand.u32 $0x1, s1;
	s4 =	sshll.u32 s2, $0x1;
	s2 =	simm.s32 $0x0  }
0x4: {  	s4 =	sor.u32 s1, s4;
	[smem:$0x7FF] =	sst s2;
	s1 =	ssub.s32 $0x2, s1  }
0x5: {  	s5 =	smul.u32 $0x6400, s4;
	s6 =	sshrl.u32 s1, $0x1;
	s4 =	sshll.u32 s4, $0xB  }
0x6: {  	_ =	strace $0x80000047;
	s1 =	ssub.s32 s1, s6;
	s3 =	sadd.s32 s3, s4  }
0x7: {  	s5 =	sshrl.u32 s5, $0x3;
	[dreg:$0x3] =	wrdreg s3;
	s30 =	sadd.s32 $0x400, s3  }
0x8: {  	s31 =	smax.u32 s1, $0x1;
	s0 =	sadd.s32 s5, s0;
	[dreg:$0x6] =	wrdreg s30  }
0x9: {  	[dreg:$0x7] =	wrdreg s31;
	s29 =	sadd.s32 $0xA00, s0  }
0xa: {  	s0 =	sadd.s32 $0x1040, s0;
	[dreg:$0x4] =	wrdreg s29  }
0xb: {  	v0 =	vimm.f32 $0.0e+00;
	vm0 =	vcmask $0x3F04;
	v1 =	vimm.f32 $1.000000000e+00;
	s14 =	simm.s32 $0x4;
	s15 =	simm.s32 $0x0;
	[dreg:$0x5] =	wrdreg s0  }
.LBB2_1:
0xc: {  	s0 =	rddreg [dreg:$0x4]  }
0xd: {  	[tilespmem:s2], [sflag:$0x1] =	stream.linear.gather [hbm4b:s0+s2], $0x3200, $0x38;
	[tilespmem:$0xA400] =	vst v63  }
0xe: {  	s31 =	rddreg [dreg:$0x5];
	s1 =	simm.s32 $0x3200;
	s0 =	simm.s32 $0x6480  }
0xf: {  	[tilespmem:s1], [sflag:$0x2] =	stream.linear.gather [hbm4b:s31+s2], $0x3200, $0x38;
	[tilespmem:$0xA400] =	vst v63  }
0x10: {  	[tilespmem:s0+$0xFFFFFF80] =	vst v0  }
0x11: {  	[tilespmem:s0+$0x70] =	vst v0  }
0x12: {  	[tilespmem:s0+$0x60] =	vst v0  }
0x13: {  	[tilespmem:s0+$0x50] =	vst v0  }
0x14: {  	[tilespmem:s0+$0x40] =	vst v0  }
0x15: {  	[tilespmem:s0+$0x30] =	vst v0  }
0x16: {  	[tilespmem:s0+$0x20] =	vst v0  }
0x17: {  	[tilespmem:s0+$0x10] =	vst v0  }
0x18: {  	[tilespmem:s0+$0x0] =	vst v0  }
0x19: {  	[tilespmem:s0+$0xFFFFFFF0] =	vst v0  }
0x1a: {  	[tilespmem:s0+$0xFFFFFFE0] =	vst v0  }
0x1b: {  	[tilespmem:s0+$0xFFFFFFD0] =	vst v0  }
0x1c: {  	[tilespmem:s0+$0xFFFFFFC0] =	vst v0  }
0x1d: {  	[tilespmem:s0+$0xFFFFFFB0] =	vst v0  }
0x1e: {  	s1 =	simm.s32 $0x0;
	[tilespmem:s0+$0xFFFFFFA0] =	vst v0  }
.LBB2_2:
0x1f: {  	s1 =	sadd.s32 $0x10, s1;
	[tilespmem:s0+$0xFFFFFF90] =	vst v0;
	s0 =	sadd.s32 $0x100, s0  }
0x20: {  	[tilespmem:s0+$0xFFFFFF80] =	vst v0;
	p0 =	slt.u32 s1, $0x3F0  }
0x21: {  	[tilespmem:s0+$0x70] =	vst v0  }
0x22: {  	[tilespmem:s0+$0x60] =	vst v0  }
0x23: {  	[tilespmem:s0+$0x50] =	vst v0  }
0x24: {  	[tilespmem:s0+$0x40] =	vst v0  }
0x25: {  	[tilespmem:s0+$0x30] =	vst v0  }
0x26: {  	[tilespmem:s0+$0x20] =	vst v0  }
0x27: {  	[tilespmem:s0+$0x10] =	vst v0  }
0x28: {  	[tilespmem:s0+$0x0] =	vst v0  }
0x29: {  	[tilespmem:s0+$0xFFFFFFF0] =	vst v0  }
.Ltmp0:
0x2a: {  	[tilespmem:s0+$0xFFFFFFE0] =	vst v0;
	(pc) =	sbr.rel @p0 .LBB2_2-.Ltmp0, $4  }
0x2b: {  	[tilespmem:s0+$0xFFFFFFD0] =	vst v0  }
0x2c: {  	[tilespmem:s0+$0xFFFFFFC0] =	vst v0  }
0x2d: {  	[tilespmem:s0+$0xFFFFFFB0] =	vst v0  }
0x2e: {  	[tilespmem:s0+$0xFFFFFFA0] =	vst v0  }
0x2f: {  	[tilespmem:s0+$0xFFFFFF90] =	vst v0;
	s22 =	simm.s32 $0x0;
	s1 =	simm.s32 $0x1  }
0x30: {  	_ =	swait.ge [sflag:s1], $0x3200;
	s19 =	sor.u32 $0x5, s22  }
0x31: {  	s23 =	sor.u32 $0x7, s22;
	[sflag:s1] =	ssyncset.done $0x0;
	s17 =	smul.u32 $0xC8, s19  }
0x32: {  	s24 =	sor.u32 $0x3, s22;
	s16 =	smul.u32 $0xC8, s23;
	[sflag:s1] =	ssyncadd.s32 $0xFFFFCE00  }
0x33: {  	s18 =	smul.u32 $0xC8, s24;
	v2 =	vld [tilespmem:s17+$0x0]  }
0x34: {  	v4 =	vld [tilespmem:s16+$0x0]  }
0x35: {  	s29 =	smul.u32 $0xC8, s22;
	s25 =	sor.u32 $0x2, s22;
	v5 =	vld [tilespmem:s18+$0x0]  }
0x36: {  	s31 =	sor.u32 $0x6, s22;
	s0 =	smul.u32 $0xC8, s25  }
0x37: {  	s21 =	sor.u32 $0x4, s22;
	s20 =	smul.u32 $0xC8, s31;
	v6 =	vld [tilespmem:s29+$0x0]  }
0x38: {  	s1 =	smul.u32 $0xC8, s21;
	v7 =	vld [tilespmem:s0+$0x0]  }
0x39: {  	s8 =	sor.u32 $0x1, s22;
	s19 =	sshll.u32 s19, $0x7;
	v8 =	vld [tilespmem:s20+$0x0]  }
0x3a: {  	s23 =	sshll.u32 s23, $0x7;
	s19 =	sand.u32 $0x3FFFFF80, s19;
	s21 =	sshll.u32 s21, $0x7;
	v3 =	vld [tilespmem:s1+$0x0]  }
0x3b: {  	s24 =	sshll.u32 s24, $0x7;
	s28 =	sand.u32 $0x3FFFFF80, s21;
	s21 =	sand.u32 $0x3FFFFF80, s23;
	[tilespmem:v2+s19+$0x6400] =	vst.idx.add.f32.msk vm0, v1  }
0x3c: {  	s22 =	sand.u32 $0x3FFFFF80, s24;
	s23 =	smul.u32 $0xC8, s8;
	[tilespmem:v4+s21+$0x6400] =	vst.idx.add.f32.msk vm0, v1  }
0x3d: {  	s3 =	simm.s32 $0x0;
	[tilespmem:v5+s22+$0x6400] =	vst.idx.add.f32.msk vm0, v1  }
0x3e: {  	s30 =	sand.u32 $0x3FFFFF80, s3;
	s4 =	sshll.u32 s25, $0x7;
	v4 =	vld [tilespmem:s23+$0x0]  }
0x3f: {  	s5 =	sshll.u32 s31, $0x7;
	s26 =	sand.u32 $0x3FFFFF80, s4;
	[tilespmem:v6+s30+$0x6400] =	vst.idx.add.f32.msk vm0, v1  }
0x40: {  	s24 =	sand.u32 $0x3FFFFF80, s5;
	[tilespmem:v7+s26+$0x6400] =	vst.idx.add.f32.msk vm0, v1  }
0x41: {  	[tilespmem:v8+s24+$0x6400] =	vst.idx.add.f32.msk vm0, v1  }
0x42: {  	v2 =	vld [tilespmem:s17+$0x10]  }
0x43: {  	[tilespmem:v3+s28+$0x6400] =	vst.idx.add.f32.msk vm0, v1  }
0x44: {  	v5 =	vld [tilespmem:s0+$0x10]  }
0x45: {  	v6 =	vld [tilespmem:s18+$0x10]  }
0x46: {  	v7 =	vld [tilespmem:s16+$0x10]  }
0x47: {  	v9 =	vld [tilespmem:s29+$0x10]  }
0x48: {  	s8 =	sshll.u32 s8, $0x7;
	v8 =	vld [tilespmem:s20+$0x10]  }
0x49: {  	s25 =	sand.u32 $0x3FFFFF80, s8;
	v3 =	vld [tilespmem:s1+$0x10]  }
0x4a: {  	[tilespmem:v4+s25+$0x6400] =	vst.idx.add.f32.msk vm0, v1  }
0x4b: {  	[tilespmem:v2+s19+$0x6400] =	vst.idx.add.f32.msk $0xffff, v1  }
0x4c: {  	v4 =	vld [tilespmem:s23+$0x10]  }
0x4d: {  	[tilespmem:v5+s26+$0x6400] =	vst.idx.add.f32.msk $0xffff, v1  }
0x4e: {  	[tilespmem:v7+s21+$0x6400] =	vst.idx.add.f32.msk $0xffff, v1  }
0x4f: {  	[tilespmem:v9+s30+$0x6400] =	vst.idx.add.f32.msk $0xffff, v1  }
0x50: {  	[tilespmem:v8+s24+$0x6400] =	vst.idx.add.f32.msk $0xffff, v1  }
0x51: {  	[tilespmem:v6+s22+$0x6400] =	vst.idx.add.f32.msk $0xffff, v1  }
0x52: {  	v2 =	vld [tilespmem:s17+$0x20]  }
0x53: {  	[tilespmem:v3+s28+$0x6400] =	vst.idx.add.f32.msk $0xffff, v1  }
0x54: {  	v3 =	vld [tilespmem:s0+$0x20]  }
0x55: {  	v5 =	vld [tilespmem:s29+$0x20]  }
0x56: {  	v58 =	vld [tilespmem:s16+$0x20]  }
0x57: {  	v60 =	vld [tilespmem:s20+$0x20]  }
0x58: {  	v6 =	vld [tilespmem:s1+$0x20]  }
0x59: {  	[tilespmem:v4+s25+$0x6400] =	vst.idx.add.f32.msk $0xffff, v1  }
0x5a: {  	v4 =	vld [tilespmem:s18+$0x20]  }
0x5b: {  	[tilespmem:v2+s19+$0x6400] =	vst.idx.add.f32.msk $0xffff, v1  }
0x5c: {  	[tilespmem:v3+s26+$0x6400] =	vst.idx.add.f32.msk $0xffff, v1  }
0x5d: {  	v2 =	vld [tilespmem:s17+$0x30]  }
0x5e: {  	v7 =	vld [tilespmem:s23+$0x20]  }
0x5f: {  	[tilespmem:v5+s30+$0x6400] =	vst.idx.add.f32.msk $0xffff, v1  }
0x60: {  	[tilespmem:v58+s21+$0x6400] =	vst.idx.add.f32.msk $0xffff, v1  }
0x61: {  	[tilespmem:v60+s24+$0x6400] =	vst.idx.add.f32.msk $0xffff, v1  }
0x62: {  	v5 =	vld [tilespmem:s29+$0x30]  }
0x63: {  	[tilespmem:v4+s22+$0x6400] =	vst.idx.add.f32.msk $0xffff, v1  }
0x64: {  	v4 =	vld [tilespmem:s18+$0x30]  }
0x65: {  	[tilespmem:v2+s19+$0x6400] =	vst.idx.add.f32.msk $0xffff, v1  }
0x66: {  	v2 =	vld [tilespmem:s0+$0x30]  }
0x67: {  	[tilespmem:v6+s28+$0x6400] =	vst.idx.add.f32.msk $0xffff, v1  }
0x68: {  	v6 =	vld [tilespmem:s1+$0x30]  }
0x69: {  	[tilespmem:v7+s25+$0x6400] =	vst.idx.add.f32.msk $0xffff, v1  }
0x6a: {  	v3 =	vld [tilespmem:s17+$0x40]  }
0x6b: {  	[tilespmem:v5+s30+$0x6400] =	vst.idx.add.f32.msk $0xffff, v1  }
0x6c: {  	[tilespmem:v4+s22+$0x6400] =	vst.idx.add.f32.msk $0xffff, v1  }
0x6d: {  	v4 =	vld [tilespmem:s23+$0x30]  }
0x6e: {  	[tilespmem:v2+s26+$0x6400] =	vst.idx.add.f32.msk $0xffff, v1  }
0x6f: {  	v2 =	vld [tilespmem:s0+$0x40]  }
0x70: {  	[tilespmem:v6+s28+$0x6400] =	vst.idx.add.f32.msk $0xffff, v1  }
0x71: {  	v7 =	vld [tilespmem:s18+$0x40]  }
0x72: {  	[tilespmem:v3+s19+$0x6400] =	vst.idx.add.f32.msk $0xffff, v1  }
0x73: {  	v3 =	vld [tilespmem:s29+$0x40]  }
0x74: {  	v5 =	vld [tilespmem:s17+$0x50]  }
0x75: {  	[tilespmem:v4+s25+$0x6400] =	vst.idx.add.f32.msk $0xffff, v1  }
0x76: {  	v4 =	vld [tilespmem:s16+$0x30]  }
0x77: {  	[tilespmem:v2+s26+$0x6400] =	vst.idx.add.f32.msk $0xffff, v1  }
0x78: {  	v2 =	vld [tilespmem:s1+$0x40]  }
0x79: {  	[tilespmem:v7+s22+$0x6400] =	vst.idx.add.f32.msk $0xffff, v1  }
0x7a: {  	v7 =	vld [tilespmem:s23+$0x40]  }
0x7b: {  	[tilespmem:v3+s30+$0x6400] =	vst.idx.add.f32.msk $0xffff, v1  }
0x7c: {  	v6 =	vld [tilespmem:s0+$0x50]  }
0x7d: {  	v3 =	vld [tilespmem:s29+$0x50]  }
0x7e: {  	[tilespmem:v5+s19+$0x6400] =	vst.idx.add.f32.msk $0xffff, v1  }
0x7f: {  	v5 =	vld [tilespmem:s18+$0x50]  }
0x80: {  	[tilespmem:v2+s28+$0x6400] =	vst.idx.add.f32.msk $0xffff, v1  }
0x81: {  	v2 =	vld [tilespmem:s1+$0x50]  }
0x82: {  	v59 =	vld [tilespmem:s17+$0x60]  }
0x83: {  	[tilespmem:v4+s21+$0x6400] =	vst.idx.add.f32.msk $0xffff, v1  }
0x84: {  	v4 =	vld [tilespmem:s16+$0x40]  }
0x85: {  	[tilespmem:v7+s25+$0x6400] =	vst.idx.add.f32.msk $0xffff, v1  }
0x86: {  	v61 =	vld [tilespmem:s23+$0x50]  }
0x87: {  	[tilespmem:v6+s26+$0x6400] =	vst.idx.add.f32.msk $0xffff, v1  }
0x88: {  	[tilespmem:v3+s30+$0x6400] =	vst.idx.add.f32.msk $0xffff, v1  }
0x89: {  	[tilespmem:v2+s28+$0x6400] =	vst.idx.add.f32.msk $0xffff, v1  }
0x8a: {  	v2 =	vld [tilespmem:s1+$0x60]  }
0x8b: {  	[tilespmem:v5+s22+$0x6400] =	vst.idx.add.f32.msk $0xffff, v1  }
0x8c: {  	v6 =	vld [tilespmem:s0+$0x60]  }
0x8d: {  	v3 =	vld [tilespmem:s29+$0x60]  }
0x8e: {  	[tilespmem:v59+s19+$0x6400] =	vst.idx.add.f32.msk $0xffff, v1  }
0x8f: {  	v7 =	vld [tilespmem:s17+$0x70]  }
0x90: {  	[tilespmem:v4+s21+$0x6400] =	vst.idx.add.f32.msk $0xffff, v1  }
0x91: {  	v4 =	vld [tilespmem:s16+$0x50]  }
0x92: {  	[tilespmem:v2+s28+$0x6400] =	vst.idx.add.f32.msk $0xffff, v1  }
0x93: {  	v2 =	vld [tilespmem:s1+$0x70]  }
0x94: {  	[tilespmem:v6+s26+$0x6400] =	vst.idx.add.f32.msk $0xffff, v1  }
0x95: {  	[tilespmem:v3+s30+$0x6400] =	vst.idx.add.f32.msk $0xffff, v1  }
0x96: {  	v3 =	vld [tilespmem:s29+$0x70]  }
0x97: {  	v5 =	vld [tilespmem:s0+$0x70]  }
0x98: {  	v6 =	vld [tilespmem:s18+$0x60]  }
0x99: {  	[tilespmem:v4+s21+$0x6400] =	vst.idx.add.f32.msk $0xffff, v1  }
0x9a: {  	v4 =	vld [tilespmem:s16+$0x60]  }
0x9b: {  	s6 =	sand.u32 $0x3FE0, s1;
	[tilespmem:v2+s28+$0x6400] =	vst.idx.add.f32.msk $0xffff, v1  }
0x9c: {  	v2 =	vld [tilespmem:s6+$0x80]  }
0x9d: {  	[tilespmem:v7+s19+$0x6400] =	vst.idx.add.f32.msk $0xffff, v1  }
0x9e: {  	[tilespmem:v3+s30+$0x6400] =	vst.idx.add.f32.msk $0xffff, v1  }
0x9f: {  	s9 =	sand.u32 $0x3FE8, s17;
	[tilespmem:v5+s26+$0x6400] =	vst.idx.add.f32.msk $0xffff, v1  }
0xa0: {  	s7 =	sand.u32 $0x3FD0, s0;
	v5 =	vld [tilespmem:s9+$0x80]  }
0xa1: {  	v3 =	vld [tilespmem:s7+$0x80]  }
0xa2: {  	[tilespmem:v4+s21+$0x6400] =	vst.idx.add.f32.msk $0xffff, v1  }
0xa3: {  	v4 =	vld [tilespmem:s16+$0x70]  }
0xa4: {  	[tilespmem:v2+s28+$0x6400] =	vst.idx.add.f32.msk $0xffff, v1  }
0xa5: {  	v2 =	vld [tilespmem:s1+$0x90]  }
0xa6: {  	[tilespmem:v61+s25+$0x6400] =	vst.idx.add.f32.msk $0xffff, v1  }
0xa7: {  	s11 =	sand.u32 $0x3FC0, s29;
	[tilespmem:v6+s22+$0x6400] =	vst.idx.add.f32.msk $0xffff, v1  }
0xa8: {  	v7 =	vld [tilespmem:s11+$0x80]  }
0xa9: {  	[tilespmem:v5+s19+$0x6400] =	vst.idx.add.f32.msk $0xffff, v1  }
0xaa: {  	[tilespmem:v3+s26+$0x6400] =	vst.idx.add.f32.msk $0xffff, v1  }
0xab: {  	s10 =	sand.u32 $0x3FF8, s16;
	[tilespmem:v4+s21+$0x6400] =	vst.idx.add.f32.msk $0xffff, v1  }
0xac: {  	v4 =	vld [tilespmem:s10+$0x80]  }
0xad: {  	[tilespmem:v2+s28+$0x6400] =	vst.idx.add.f32.msk $0xffff, v1  }
0xae: {  	v2 =	vld [tilespmem:s20+$0x30]  }
0xaf: {  	v3 =	vld [tilespmem:s17+$0x90]  }
0xb0: {  	[tilespmem:v7+s30+$0x6400] =	vst.idx.add.f32.msk $0xffff, v1  }
0xb1: {  	v7 =	vld [tilespmem:s18+$0x70]  }
0xb2: {  	v6 =	vld [tilespmem:s0+$0x90]  }
0xb3: {  	v9 =	vld [tilespmem:s29+$0x90]  }
0xb4: {  	[tilespmem:v4+s21+$0x6400] =	vst.idx.add.f32.msk $0xffff, v1  }
0xb5: {  	v4 =	vld [tilespmem:s16+$0x90]  }
0xb6: {  	[tilespmem:v2+s24+$0x6400] =	vst.idx.add.f32.msk $0xffff, v1  }
0xb7: {  	v2 =	vld [tilespmem:s20+$0x40]  }
0xb8: {  	[tilespmem:v3+s19+$0x6400] =	vst.idx.add.f32.msk $0xffff, v1  }
0xb9: {  	[tilespmem:v7+s22+$0x6400] =	vst.idx.add.f32.msk $0xffff, v1  }
0xba: {  	v3 =	vld [tilespmem:s17+$0xA0]  }
0xbb: {  	s12 =	sand.u32 $0x3FD8, s18;
	[tilespmem:v9+s30+$0x6400] =	vst.idx.add.f32.msk $0xffff, v1  }
0xbc: {  	v62 =	vld [tilespmem:s12+$0x80]  }
0xbd: {  	[tilespmem:v4+s21+$0x6400] =	vst.idx.add.f32.msk $0xffff, v1  }
0xbe: {  	v4 =	vld [tilespmem:s23+$0x60]  }
0xbf: {  	[tilespmem:v2+s24+$0x6400] =	vst.idx.add.f32.msk $0xffff, v1  }
0xc0: {  	v2 =	vld [tilespmem:s20+$0x50]  }
0xc1: {  	[tilespmem:v6+s26+$0x6400] =	vst.idx.add.f32.msk $0xffff, v1  }
0xc2: {  	v5 =	vld [tilespmem:s1+$0xA0]  }
0xc3: {  	v6 =	vld [tilespmem:s0+$0xA0]  }
0xc4: {  	[tilespmem:v62+s22+$0x6400] =	vst.idx.add.f32.msk $0xffff, v1  }
0xc5: {  	[tilespmem:v3+s19+$0x6400] =	vst.idx.add.f32.msk $0xffff, v1  }
0xc6: {  	[tilespmem:v4+s25+$0x6400] =	vst.idx.add.f32.msk $0xffff, v1  }
0xc7: {  	v4 =	vld [tilespmem:s23+$0x70]  }
0xc8: {  	[tilespmem:v2+s24+$0x6400] =	vst.idx.add.f32.msk $0xffff, v1  }
0xc9: {  	v2 =	vld [tilespmem:s20+$0x60]  }
0xca: {  	[tilespmem:v5+s28+$0x6400] =	vst.idx.add.f32.msk $0xffff, v1  }
0xcb: {  	v5 =	vld [tilespmem:s29+$0xA0]  }
0xcc: {  	[tilespmem:v6+s26+$0x6400] =	vst.idx.add.f32.msk $0xffff, v1  }
0xcd: {  	v7 =	vld [tilespmem:s1+$0xB0]  }
0xce: {  	v6 =	vld [tilespmem:s0+$0xB0]  }
0xcf: {  	s13 =	sand.u32 $0x3FC8, s23;
	[tilespmem:v4+s25+$0x6400] =	vst.idx.add.f32.msk $0xffff, v1  }
0xd0: {  	v4 =	vld [tilespmem:s13+$0x80]  }
0xd1: {  	[tilespmem:v2+s24+$0x6400] =	vst.idx.add.f32.msk $0xffff, v1  }
0xd2: {  	v2 =	vld [tilespmem:s20+$0x70]  }
0xd3: {  	[tilespmem:v5+s30+$0x6400] =	vst.idx.add.f32.msk $0xffff, v1  }
0xd4: {  	v5 =	vld [tilespmem:s29+$0xB0]  }
0xd5: {  	[tilespmem:v7+s28+$0x6400] =	vst.idx.add.f32.msk $0xffff, v1  }
0xd6: {  	v7 =	vld [tilespmem:s18+$0x90]  }
0xd7: {  	[tilespmem:v6+s26+$0x6400] =	vst.idx.add.f32.msk $0xffff, v1  }
0xd8: {  	[tilespmem:v4+s25+$0x6400] =	vst.idx.add.f32.msk $0xffff, v1  }
0xd9: {  	v4 =	vld [tilespmem:s23+$0x90]  }
0xda: {  	s31 =	sand.u32 $0x3FF0, s20;
	[tilespmem:v2+s24+$0x6400] =	vst.idx.add.f32.msk $0xffff, v1  }
0xdb: {  	v2 =	vld [tilespmem:s31+$0x80]  }
0xdc: {  	v63 =	vld [tilespmem:s1+$0xC0]  }
0xdd: {  	[tilespmem:v5+s30+$0x6400] =	vst.idx.add.f32.msk $0xffff, v1  }
0xde: {  	[tilespmem:v7+s22+$0x6400] =	vst.idx.add.f32.msk $0xffff, v1  }
0xdf: {  	v7 =	vld [tilespmem:s17+$0xB0]  }
0xe0: {  	v5 =	vld [tilespmem:s29+$0xC0]  }
0xe1: {  	[tilespmem:v4+s25+$0x6400] =	vst.idx.add.f32.msk $0xffff, v1  }
0xe2: {  	v3 =	vld [tilespmem:s23+$0xA0]  }
0xe3: {  	[tilespmem:v2+s24+$0x6400] =	vst.idx.add.f32.msk $0xffff, v1  }
0xe4: {  	v2 =	vld [tilespmem:s18+$0xA0]  }
0xe5: {  	[tilespmem:v63+s28+$0x6400] =	vst.idx.add.f32.msk $0xff, v1  }
0xe6: {  	v6 =	vld [tilespmem:s20+$0x90]  }
0xe7: {  	[tilespmem:v7+s19+$0x6400] =	vst.idx.add.f32.msk $0xffff, v1  }
0xe8: {  	[tilespmem:v5+s30+$0x6400] =	vst.idx.add.f32.msk $0xff, v1  }
0xe9: {  	v5 =	vld [tilespmem:s16+$0xA0]  }
0xea: {  	v4 =	vld [tilespmem:s0+$0xC0]  }
0xeb: {  	[tilespmem:v3+s25+$0x6400] =	vst.idx.add.f32.msk $0xffff, v1  }
0xec: {  	[tilespmem:v2+s22+$0x6400] =	vst.idx.add.f32.msk $0xffff, v1  }
0xed: {  	v2 =	vld [tilespmem:s18+$0xB0]  }
0xee: {  	[tilespmem:v6+s24+$0x6400] =	vst.idx.add.f32.msk $0xffff, v1  }
0xef: {  	s0 =	simm.s32 $0x8;
	v3 =	vld [tilespmem:s20+$0xA0]  }
.LBB2_4:
0xf0: {  	s30 =	smul.u32 $0xC8, s0  }
0xf1: {  	s1 =	sor.u32 $0x1, s0;
	v6 =	vld [tilespmem:s23+$0xB0];
	s8 =	smov.u32 s0;
	s28 =	sadd.s32 $0x8, s0  }
0xf2: {  	s10 =	smul.u32 $0xC8, s1;
	s13 =	sshll.u32 s1, $0x7;
	s1 =	sor.u32 $0x2, s8;
	[tilespmem:v4+s26+$0x6400] =	vst.idx.add.f32.msk $0xff, v1  }
0xf3: {  	s4 =	sor.u32 $0x3, s8;
	s29 =	smul.u32 $0xC8, s1;
	s26 =	sshll.u32 s1, $0x7;
	[tilespmem:v5+s21+$0x6400] =	vst.idx.add.f32.msk $0xffff, v1  }
0xf4: {  	p0 =	slt.u32 s0, $0x38;
	s6 =	sor.u32 $0x4, s8;
	s5 =	smul.u32 $0xC8, s4;
	v4 =	vld [tilespmem:s16+$0xB0]  }
0xf5: {  	s0 =	sor.u32 $0x5, s8;
	s31 =	smul.u32 $0xC8, s6;
	v5 =	vld [tilespmem:s30+$0x0]  }
0xf6: {  	s7 =	sor.u32 $0x6, s8;
	s1 =	smul.u32 $0xC8, s0;
	s0 =	sshll.u32 s0, $0x7;
	[tilespmem:v2+s22+$0x6400] =	vst.idx.add.f32.msk $0xffff, v1  }
0xf7: {  	s9 =	sor.u32 $0x7, s8;
	s3 =	smul.u32 $0xC8, s7;
	s7 =	sshll.u32 s7, $0x7;
	v2 =	vld [tilespmem:s17+$0xC0]  }
0xf8: {  	s11 =	smul.u32 $0xC8, s9;
	s9 =	sshll.u32 s9, $0x7;
	s17 =	smov.u32 s1;
	[tilespmem:v3+s24+$0x6400] =	vst.idx.add.f32.msk $0xffff, v1  }
0xf9: {  	s1 =	sshll.u32 s8, $0x7;
	v3 =	vld [tilespmem:s31+$0x0]  }
0xfa: {  	s1 =	sand.u32 $0x3FFFFF80, s1;
	v7 =	vld [tilespmem:s20+$0xB0]  }
0xfb: {  	s8 =	sand.u32 $0x3FFFFF80, s13;
	[tilespmem:v6+s25+$0x6400] =	vst.idx.add.f32.msk $0xffff, v1  }
0xfc: {  	s4 =	sshll.u32 s4, $0x7;
	s26 =	sand.u32 $0x3FFFFF80, s26;
	v6 =	vld [tilespmem:s17+$0x0]  }
0xfd: {  	s4 =	sand.u32 $0x3FFFFF80, s4;
	v8 =	vld [tilespmem:s29+$0x0]  }
0xfe: {  	[tilespmem:v4+s21+$0x6400] =	vst.idx.add.f32.msk $0xffff, v1  }
0xff: {  	s13 =	sand.u32 $0x3FFFFF80, s0;
	v4 =	vld [tilespmem:s5+$0x0]  }
0x100: {  	v9 =	vld [tilespmem:s18+$0xC0];
	s18 =	smov.u32 s5  }
0x101: {  	s5 =	sand.u32 $0x3FFFFF80, s7;
	v10 =	vld [tilespmem:s23+$0xC0];
	s23 =	smov.u32 s10  }
0x102: {  	s7 =	sand.u32 $0x3FFFFF80, s9;
	[tilespmem:v7+s24+$0x6400] =	vst.idx.add.f32.msk $0xffff, v1  }
0x103: {  	v7 =	vld [tilespmem:s16+$0xC0];
	s16 =	smov.u32 s11  }
0x104: {  	s0 =	sshll.u32 s6, $0x7;
	v11 =	vld [tilespmem:s20+$0xC0];
	s20 =	smov.u32 s3  }
0x105: {  	s0 =	sand.u32 $0x3FFFFF80, s0;
	v12 =	vld [tilespmem:s16+$0x0]  }
0x106: {  	[tilespmem:v6+s13+$0x6400] =	vst.idx.add.f32.msk vm0, v1  }
0x107: {  	v6 =	vld [tilespmem:s17+$0x10]  }
0x108: {  	[tilespmem:v9+s22+$0x6400] =	vst.idx.add.f32.msk $0xff, v1;
	s22 =	smov.u32 s4  }
0x109: {  	[tilespmem:v2+s19+$0x6400] =	vst.idx.add.f32.msk $0xff, v1;
	s19 =	smov.u32 s13  }
0x10a: {  	v2 =	vld [tilespmem:s20+$0x0]  }
0x10b: {  	[tilespmem:v7+s21+$0x6400] =	vst.idx.add.f32.msk $0xff, v1;
	s21 =	smov.u32 s7  }
0x10c: {  	[tilespmem:v11+s24+$0x6400] =	vst.idx.add.f32.msk $0xff, v1;
	s24 =	smov.u32 s5  }
0x10d: {  	[tilespmem:v10+s25+$0x6400] =	vst.idx.add.f32.msk $0xff, v1;
	s25 =	smov.u32 s8  }
0x10e: {  	[tilespmem:v3+s0+$0x6400] =	vst.idx.add.f32.msk vm0, v1  }
0x10f: {  	[tilespmem:v12+s21+$0x6400] =	vst.idx.add.f32.msk vm0, v1  }
0x110: {  	[tilespmem:v4+s22+$0x6400] =	vst.idx.add.f32.msk vm0, v1  }
0x111: {  	v3 =	vld [tilespmem:s31+$0x10]  }
0x112: {  	v4 =	vld [tilespmem:s23+$0x0]  }
0x113: {  	[tilespmem:v5+s1+$0x6400] =	vst.idx.add.f32.msk vm0, v1  }
0x114: {  	[tilespmem:v6+s19+$0x6400] =	vst.idx.add.f32.msk $0xffff, v1  }
0x115: {  	[tilespmem:v8+s26+$0x6400] =	vst.idx.add.f32.msk vm0, v1  }
0x116: {  	v5 =	vld [tilespmem:s17+$0x20]  }
0x117: {  	[tilespmem:v2+s24+$0x6400] =	vst.idx.add.f32.msk vm0, v1  }
0x118: {  	v2 =	vld [tilespmem:s18+$0x10]  }
0x119: {  	v6 =	vld [tilespmem:s29+$0x10]  }
0x11a: {  	v7 =	vld [tilespmem:s16+$0x10]  }
0x11b: {  	v8 =	vld [tilespmem:s20+$0x10];
	_ =	sdelay $0x1  }
0x11c: {  	[tilespmem:v4+s25+$0x6400] =	vst.idx.add.f32.msk vm0, v1  }
0x11d: {  	v4 =	vld [tilespmem:s23+$0x10]  }
0x11e: {  	v9 =	vld [tilespmem:s30+$0x10]  }
0x11f: {  	[tilespmem:v3+s0+$0x6400] =	vst.idx.add.f32.msk $0xffff, v1  }
0x120: {  	[tilespmem:v6+s26+$0x6400] =	vst.idx.add.f32.msk $0xffff, v1  }
0x121: {  	v3 =	vld [tilespmem:s29+$0x20]  }
0x122: {  	[tilespmem:v7+s21+$0x6400] =	vst.idx.add.f32.msk $0xffff, v1  }
0x123: {  	[tilespmem:v5+s19+$0x6400] =	vst.idx.add.f32.msk $0xffff, v1  }
0x124: {  	v5 =	vld [tilespmem:s17+$0x30]  }
0x125: {  	[tilespmem:v4+s25+$0x6400] =	vst.idx.add.f32.msk $0xffff, v1  }
0x126: {  	[tilespmem:v9+s1+$0x6400] =	vst.idx.add.f32.msk $0xffff, v1  }
0x127: {  	[tilespmem:v8+s24+$0x6400] =	vst.idx.add.f32.msk $0xffff, v1  }
0x128: {  	[tilespmem:v2+s22+$0x6400] =	vst.idx.add.f32.msk $0xffff, v1  }
0x129: {  	v2 =	vld [tilespmem:s18+$0x20]  }
0x12a: {  	v4 =	vld [tilespmem:s30+$0x20]  }
0x12b: {  	[tilespmem:v3+s26+$0x6400] =	vst.idx.add.f32.msk $0xffff, v1  }
0x12c: {  	[tilespmem:v5+s19+$0x6400] =	vst.idx.add.f32.msk $0xffff, v1  }
0x12d: {  	v3 =	vld [tilespmem:s29+$0x30]  }
0x12e: {  	v5 =	vld [tilespmem:s17+$0x40]  }
0x12f: {  	v6 =	vld [tilespmem:s31+$0x20]  }
0x130: {  	v7 =	vld [tilespmem:s23+$0x20]  }
0x131: {  	[tilespmem:v2+s22+$0x6400] =	vst.idx.add.f32.msk $0xffff, v1  }
0x132: {  	[tilespmem:v4+s1+$0x6400] =	vst.idx.add.f32.msk $0xffff, v1  }
0x133: {  	v2 =	vld [tilespmem:s18+$0x30]  }
0x134: {  	v4 =	vld [tilespmem:s30+$0x30]  }
0x135: {  	v8 =	vld [tilespmem:s16+$0x20]  }
0x136: {  	[tilespmem:v3+s26+$0x6400] =	vst.idx.add.f32.msk $0xffff, v1  }
0x137: {  	v3 =	vld [tilespmem:s29+$0x40]  }
0x138: {  	[tilespmem:v6+s0+$0x6400] =	vst.idx.add.f32.msk $0xffff, v1  }
0x139: {  	[tilespmem:v7+s25+$0x6400] =	vst.idx.add.f32.msk $0xffff, v1  }
0x13a: {  	v6 =	vld [tilespmem:s31+$0x30]  }
0x13b: {  	[tilespmem:v2+s22+$0x6400] =	vst.idx.add.f32.msk $0xffff, v1  }
0x13c: {  	v2 =	vld [tilespmem:s23+$0x30]  }
0x13d: {  	[tilespmem:v4+s1+$0x6400] =	vst.idx.add.f32.msk $0xffff, v1  }
0x13e: {  	[tilespmem:v5+s19+$0x6400] =	vst.idx.add.f32.msk $0xffff, v1  }
0x13f: {  	v4 =	vld [tilespmem:s30+$0x40]  }
0x140: {  	v5 =	vld [tilespmem:s17+$0x50]  }
0x141: {  	v7 =	vld [tilespmem:s18+$0x40]  }
0x142: {  	[tilespmem:v6+s0+$0x6400] =	vst.idx.add.f32.msk $0xffff, v1  }
0x143: {  	[tilespmem:v3+s26+$0x6400] =	vst.idx.add.f32.msk $0xffff, v1  }
0x144: {  	v3 =	vld [tilespmem:s31+$0x40]  }
0x145: {  	v6 =	vld [tilespmem:s29+$0x50]  }
0x146: {  	[tilespmem:v2+s25+$0x6400] =	vst.idx.add.f32.msk $0xffff, v1  }
0x147: {  	[tilespmem:v8+s21+$0x6400] =	vst.idx.add.f32.msk $0xffff, v1  }
0x148: {  	v2 =	vld [tilespmem:s16+$0x30]  }
0x149: {  	[tilespmem:v7+s22+$0x6400] =	vst.idx.add.f32.msk $0xffff, v1  }
0x14a: {  	[tilespmem:v4+s1+$0x6400] =	vst.idx.add.f32.msk $0xffff, v1  }
0x14b: {  	v4 =	vld [tilespmem:s30+$0x50]  }
0x14c: {  	[tilespmem:v3+s0+$0x6400] =	vst.idx.add.f32.msk $0xffff, v1  }
0x14d: {  	v3 =	vld [tilespmem:s31+$0x50]  }
0x14e: {  	[tilespmem:v6+s26+$0x6400] =	vst.idx.add.f32.msk $0xffff, v1  }
0x14f: {  	v6 =	vld [tilespmem:s29+$0x60]  }
0x150: {  	[tilespmem:v5+s19+$0x6400] =	vst.idx.add.f32.msk $0xffff, v1  }
0x151: {  	[tilespmem:v2+s21+$0x6400] =	vst.idx.add.f32.msk $0xffff, v1  }
0x152: {  	v2 =	vld [tilespmem:s16+$0x40]  }
0x153: {  	v5 =	vld [tilespmem:s18+$0x50]  }
0x154: {  	v7 =	vld [tilespmem:s23+$0x40]  }
0x155: {  	[tilespmem:v3+s0+$0x6400] =	vst.idx.add.f32.msk $0xffff, v1  }
0x156: {  	v3 =	vld [tilespmem:s31+$0x60]  }
0x157: {  	[tilespmem:v4+s1+$0x6400] =	vst.idx.add.f32.msk $0xffff, v1  }
0x158: {  	v4 =	vld [tilespmem:s30+$0x60]  }
0x159: {  	v8 =	vld [tilespmem:s17+$0x60]  }
0x15a: {  	[tilespmem:v2+s21+$0x6400] =	vst.idx.add.f32.msk $0xffff, v1  }
0x15b: {  	v2 =	vld [tilespmem:s16+$0x50]  }
0x15c: {  	[tilespmem:v6+s26+$0x6400] =	vst.idx.add.f32.msk $0xffff, v1  }
0x15d: {  	[tilespmem:v5+s22+$0x6400] =	vst.idx.add.f32.msk $0xffff, v1  }
0x15e: {  	[tilespmem:v3+s0+$0x6400] =	vst.idx.add.f32.msk $0xffff, v1  }
0x15f: {  	v3 =	vld [tilespmem:s31+$0x70]  }
0x160: {  	[tilespmem:v4+s1+$0x6400] =	vst.idx.add.f32.msk $0xffff, v1  }
0x161: {  	[tilespmem:v8+s19+$0x6400] =	vst.idx.add.f32.msk $0xffff, v1  }
0x162: {  	v4 =	vld [tilespmem:s30+$0x70]  }
0x163: {  	[tilespmem:v2+s21+$0x6400] =	vst.idx.add.f32.msk $0xffff, v1  }
0x164: {  	v2 =	vld [tilespmem:s16+$0x60]  }
0x165: {  	v5 =	vld [tilespmem:s29+$0x70]  }
0x166: {  	v6 =	vld [tilespmem:s18+$0x60]  }
0x167: {  	s3 =	sand.u32 $0x3FE0, s31;
	[tilespmem:v3+s0+$0x6400] =	vst.idx.add.f32.msk $0xffff, v1  }
0x168: {  	v3 =	vld [tilespmem:s3+$0x80]  }
0x169: {  	[tilespmem:v7+s25+$0x6400] =	vst.idx.add.f32.msk $0xffff, v1  }
0x16a: {  	v7 =	vld [tilespmem:s17+$0x70]  }
0x16b: {  	v8 =	vld [tilespmem:s20+$0x20]  }
0x16c: {  	[tilespmem:v2+s21+$0x6400] =	vst.idx.add.f32.msk $0xffff, v1  }
0x16d: {  	v2 =	vld [tilespmem:s16+$0x70]  }
0x16e: {  	[tilespmem:v4+s1+$0x6400] =	vst.idx.add.f32.msk $0xffff, v1  }
0x16f: {  	[tilespmem:v5+s26+$0x6400] =	vst.idx.add.f32.msk $0xffff, v1  }
0x170: {  	[tilespmem:v3+s0+$0x6400] =	vst.idx.add.f32.msk $0xffff, v1  }
0x171: {  	s3 =	sand.u32 $0x3FD0, s29;
	v3 =	vld [tilespmem:s31+$0x90]  }
0x172: {  	v4 =	vld [tilespmem:s3+$0x80]  }
0x173: {  	s3 =	sand.u32 $0x3FE8, s17;
	[tilespmem:v7+s19+$0x6400] =	vst.idx.add.f32.msk $0xffff, v1  }
0x174: {  	v5 =	vld [tilespmem:s3+$0x80]  }
0x175: {  	s3 =	sand.u32 $0x3FF8, s16;
	[tilespmem:v2+s21+$0x6400] =	vst.idx.add.f32.msk $0xffff, v1  }
0x176: {  	s4 =	sand.u32 $0x3FC0, s30;
	v2 =	vld [tilespmem:s3+$0x80]  }
0x177: {  	v7 =	vld [tilespmem:s4+$0x80]  }
0x178: {  	[tilespmem:v6+s22+$0x6400] =	vst.idx.add.f32.msk $0xffff, v1  }
0x179: {  	[tilespmem:v3+s0+$0x6400] =	vst.idx.add.f32.msk $0xffff, v1  }
0x17a: {  	[tilespmem:v4+s26+$0x6400] =	vst.idx.add.f32.msk $0xffff, v1  }
0x17b: {  	[tilespmem:v8+s24+$0x6400] =	vst.idx.add.f32.msk $0xffff, v1  }
0x17c: {  	v3 =	vld [tilespmem:s20+$0x30]  }
0x17d: {  	[tilespmem:v5+s19+$0x6400] =	vst.idx.add.f32.msk $0xffff, v1  }
0x17e: {  	v4 =	vld [tilespmem:s17+$0x90]  }
0x17f: {  	[tilespmem:v2+s21+$0x6400] =	vst.idx.add.f32.msk $0xffff, v1  }
0x180: {  	[tilespmem:v7+s1+$0x6400] =	vst.idx.add.f32.msk $0xffff, v1  }
0x181: {  	v2 =	vld [tilespmem:s16+$0x90]  }
0x182: {  	v5 =	vld [tilespmem:s31+$0xA0]  }
0x183: {  	v6 =	vld [tilespmem:s29+$0x90]  }
0x184: {  	v7 =	vld [tilespmem:s18+$0x70]  }
0x185: {  	[tilespmem:v3+s24+$0x6400] =	vst.idx.add.f32.msk $0xffff, v1  }
0x186: {  	v3 =	vld [tilespmem:s20+$0x40]  }
0x187: {  	v8 =	vld [tilespmem:s23+$0x50]  }
0x188: {  	v9 =	vld [tilespmem:s30+$0x90]  }
0x189: {  	[tilespmem:v4+s19+$0x6400] =	vst.idx.add.f32.msk $0xffff, v1  }
0x18a: {  	v4 =	vld [tilespmem:s17+$0xA0]  }
0x18b: {  	[tilespmem:v2+s21+$0x6400] =	vst.idx.add.f32.msk $0xffff, v1  }
0x18c: {  	[tilespmem:v7+s22+$0x6400] =	vst.idx.add.f32.msk $0xffff, v1  }
0x18d: {  	[tilespmem:v5+s0+$0x6400] =	vst.idx.add.f32.msk $0xffff, v1  }
0x18e: {  	[tilespmem:v3+s24+$0x6400] =	vst.idx.add.f32.msk $0xffff, v1  }
0x18f: {  	v2 =	vld [tilespmem:s20+$0x50]  }
0x190: {  	[tilespmem:v8+s25+$0x6400] =	vst.idx.add.f32.msk $0xffff, v1  }
0x191: {  	v3 =	vld [tilespmem:s23+$0x60]  }
0x192: {  	[tilespmem:v9+s1+$0x6400] =	vst.idx.add.f32.msk $0xffff, v1  }
0x193: {  	[tilespmem:v6+s26+$0x6400] =	vst.idx.add.f32.msk $0xffff, v1  }
0x194: {  	v5 =	vld [tilespmem:s30+$0xA0]  }
0x195: {  	v6 =	vld [tilespmem:s29+$0xA0]  }
0x196: {  	v7 =	vld [tilespmem:s31+$0xB0]  }
0x197: {  	[tilespmem:v2+s24+$0x6400] =	vst.idx.add.f32.msk $0xffff, v1  }
0x198: {  	v2 =	vld [tilespmem:s20+$0x60]  }
0x199: {  	[tilespmem:v3+s25+$0x6400] =	vst.idx.add.f32.msk $0xffff, v1  }
0x19a: {  	s3 =	sand.u32 $0x3FD8, s18;
	v3 =	vld [tilespmem:s23+$0x70]  }
0x19b: {  	v8 =	vld [tilespmem:s3+$0x80]  }
0x19c: {  	[tilespmem:v5+s1+$0x6400] =	vst.idx.add.f32.msk $0xffff, v1  }
0x19d: {  	v5 =	vld [tilespmem:s30+$0xB0]  }
0x19e: {  	[tilespmem:v6+s26+$0x6400] =	vst.idx.add.f32.msk $0xffff, v1  }
0x19f: {  	[tilespmem:v7+s0+$0x6400] =	vst.idx.add.f32.msk $0xffff, v1  }
0x1a0: {  	[tilespmem:v2+s24+$0x6400] =	vst.idx.add.f32.msk $0xffff, v1  }
0x1a1: {  	v2 =	vld [tilespmem:s20+$0x70]  }
0x1a2: {  	s3 =	sand.u32 $0x3FC8, s23;
	[tilespmem:v3+s25+$0x6400] =	vst.idx.add.f32.msk $0xffff, v1  }
0x1a3: {  	v3 =	vld [tilespmem:s3+$0x80]  }
0x1a4: {  	[tilespmem:v8+s22+$0x6400] =	vst.idx.add.f32.msk $0xffff, v1  }
0x1a5: {  	v6 =	vld [tilespmem:s29+$0xB0]  }
0x1a6: {  	[tilespmem:v5+s1+$0x6400] =	vst.idx.add.f32.msk $0xffff, v1  }
0x1a7: {  	v5 =	vld [tilespmem:s30+$0xC0]  }
0x1a8: {  	v7 =	vld [tilespmem:s18+$0x90]  }
0x1a9: {  	s3 =	sand.u32 $0x3FF0, s20;
	[tilespmem:v2+s24+$0x6400] =	vst.idx.add.f32.msk $0xffff, v1  }
0x1aa: {  	v2 =	vld [tilespmem:s3+$0x80]  }
0x1ab: {  	[tilespmem:v3+s25+$0x6400] =	vst.idx.add.f32.msk $0xffff, v1  }
0x1ac: {  	v3 =	vld [tilespmem:s23+$0x90]  }
0x1ad: {  	v8 =	vld [tilespmem:s31+$0xC0]  }
0x1ae: {  	[tilespmem:v4+s19+$0x6400] =	vst.idx.add.f32.msk $0xffff, v1  }
0x1af: {  	[tilespmem:v5+s1+$0x6400] =	vst.idx.add.f32.msk $0xff, v1  }
0x1b0: {  	[tilespmem:v7+s22+$0x6400] =	vst.idx.add.f32.msk $0xffff, v1  }
0x1b1: {  	[tilespmem:v6+s26+$0x6400] =	vst.idx.add.f32.msk $0xffff, v1  }
0x1b2: {  	[tilespmem:v2+s24+$0x6400] =	vst.idx.add.f32.msk $0xffff, v1  }
0x1b3: {  	v2 =	vld [tilespmem:s18+$0xA0]  }
0x1b4: {  	[tilespmem:v3+s25+$0x6400] =	vst.idx.add.f32.msk $0xffff, v1  }
0x1b5: {  	v3 =	vld [tilespmem:s23+$0xA0]  }
0x1b6: {  	v6 =	vld [tilespmem:s20+$0x90]  }
0x1b7: {  	v7 =	vld [tilespmem:s17+$0xB0]  }
0x1b8: {  	[tilespmem:v8+s0+$0x6400] =	vst.idx.add.f32.msk $0xff, v1  }
0x1b9: {  	v5 =	vld [tilespmem:s16+$0xA0]  }
0x1ba: {  	v4 =	vld [tilespmem:s29+$0xC0]  }
0x1bb: {  	[tilespmem:v2+s22+$0x6400] =	vst.idx.add.f32.msk $0xffff, v1  }
.Ltmp1:
0x1bc: {  	v2 =	vld [tilespmem:s18+$0xB0];
	(pc) =	sbr.rel @p0 .LBB2_4-.Ltmp1, $4  }
0x1bd: {  	[tilespmem:v3+s25+$0x6400] =	vst.idx.add.f32.msk $0xffff, v1  }
0x1be: {  	[tilespmem:v6+s24+$0x6400] =	vst.idx.add.f32.msk $0xffff, v1  }
0x1bf: {  	v3 =	vld [tilespmem:s20+$0xA0]  }
0x1c0: {  	s0 =	smov.u32 s28;
	[tilespmem:v7+s19+$0x6400] =	vst.idx.add.f32.msk $0xffff, v1  }
0x1c1: {  	_ =	sdelay $0x2  }
0x1c2: {  	v6 =	vld [tilespmem:s23+$0xB0]  }
0x1c3: {  	[tilespmem:v5+s21+$0x6400] =	vst.idx.add.f32.msk $0xffff, v1  }
0x1c4: {  	v5 =	vld [tilespmem:s16+$0xB0];
	_ =	sdelay $0x1  }
0x1c5: {  	[tilespmem:v3+s24+$0x6400] =	vst.idx.add.f32.msk $0xffff, v1  }
0x1c6: {  	v3 =	vld [tilespmem:s20+$0xB0];
	_ =	sdelay $0x1  }
0x1c7: {  	[tilespmem:v2+s22+$0x6400] =	vst.idx.add.f32.msk $0xffff, v1  }
0x1c8: {  	v2 =	vld [tilespmem:s17+$0xC0]  }
0x1c9: {  	[tilespmem:v6+s25+$0x6400] =	vst.idx.add.f32.msk $0xffff, v1  }
0x1ca: {  	[tilespmem:v5+s21+$0x6400] =	vst.idx.add.f32.msk $0xffff, v1  }
0x1cb: {  	v5 =	vld [tilespmem:s18+$0xC0]  }
0x1cc: {  	v7 =	vld [tilespmem:s23+$0xC0]  }
0x1cd: {  	[tilespmem:v3+s24+$0x6400] =	vst.idx.add.f32.msk $0xffff, v1  }
0x1ce: {  	v3 =	vld [tilespmem:s16+$0xC0]  }
0x1cf: {  	v6 =	vld [tilespmem:s20+$0xC0];
	_ =	sdelay $0x2  }
0x1d0: {  	[tilespmem:v4+s26+$0x6400] =	vst.idx.add.f32.msk $0xff, v1  }
0x1d1: {  	[tilespmem:v2+s19+$0x6400] =	vst.idx.add.f32.msk $0xff, v1  }
0x1d2: {  	[tilespmem:v5+s22+$0x6400] =	vst.idx.add.f32.msk $0xff, v1  }
0x1d3: {  	[tilespmem:v7+s25+$0x6400] =	vst.idx.add.f32.msk $0xff, v1  }
0x1d4: {  	[tilespmem:v3+s21+$0x6400] =	vst.idx.add.f32.msk $0xff, v1  }
0x1d5: {  	s1 =	simm.s32 $0x6400;
	[tilespmem:v6+s24+$0x6400] =	vst.idx.add.f32.msk $0xff, v1  }
0x1d6: {  	s3 =	simm.s32 $0x40;
	s24 =	simm.s32 $0x2;
	s0 =	rddreg [dreg:$0x3]  }
0x1d7: {  	[hbm4b:s0+s2] =	stream.linear.scatter [tilespmem:s1], [sflag:$0x3], $0x2000, $0x38;
	[tilespmem:$0xA400] =	vst v63  }
0x1d8: {  	s4 =	sor.u32 $0x5, s3;
	_ =	swait.ge [sflag:s24], $0x3200  }
0x1d9: {  	s5 =	sor.u32 $0x4, s3;
	s17 =	smul.u32 $0xC8, s4;
	[sflag:s24] =	ssyncset.done $0x0  }
0x1da: {  	s6 =	sor.u32 $0x7, s3;
	s1 =	smul.u32 $0xC8, s5;
	[sflag:s24] =	ssyncadd.s32 $0xFFFFCE00  }
0x1db: {  	s7 =	sor.u32 $0x3, s3;
	s16 =	smul.u32 $0xC8, s6;
	v2 =	vld [tilespmem:s17+$0x0]  }
0x1dc: {  	s18 =	smul.u32 $0xC8, s7;
	v3 =	vld [tilespmem:s1+$0x0]  }
0x1dd: {  	v4 =	vld [tilespmem:s16+$0x0]  }
0x1de: {  	s29 =	smul.u32 $0xC8, s3;
	s8 =	sor.u32 $0x2, s3;
	v5 =	vld [tilespmem:s18+$0x0]  }
0x1df: {  	s9 =	sor.u32 $0x6, s3;
	s0 =	smul.u32 $0xC8, s8  }
0x1e0: {  	s20 =	smul.u32 $0xC8, s9;
	v6 =	vld [tilespmem:s29+$0x0]  }
0x1e1: {  	s4 =	sshll.u32 s4, $0x7;
	v7 =	vld [tilespmem:s0+$0x0]  }
0x1e2: {  	s19 =	sand.u32 $0x3FFFFF80, s4;
	s25 =	sshll.u32 s5, $0x7;
	v8 =	vld [tilespmem:s20+$0x0]  }
0x1e3: {  	s26 =	sshll.u32 s6, $0x7;
	s28 =	sand.u32 $0x3FFFFF80, s25;
	[tilespmem:v2+s19+$0x6400] =	vst.idx.add.f32.msk vm0, v1  }
0x1e4: {  	s3 =	sor.u32 $0x1, s3;
	s30 =	sshll.u32 s7, $0x7;
	s21 =	sand.u32 $0x3FFFFF80, s26;
	[tilespmem:v3+s28+$0x6400] =	vst.idx.add.f32.msk vm0, v1  }
0x1e5: {  	s23 =	smul.u32 $0xC8, s3;
	s22 =	sand.u32 $0x3FFFFF80, s30;
	[tilespmem:v4+s21+$0x6400] =	vst.idx.add.f32.msk vm0, v1  }
0x1e6: {  	s31 =	simm.s32 $0x2000;
	[tilespmem:v5+s22+$0x6400] =	vst.idx.add.f32.msk vm0, v1  }
0x1e7: {  	s30 =	sand.u32 $0x3FFFFF80, s31;
	s5 =	sshll.u32 s8, $0x7;
	v4 =	vld [tilespmem:s23+$0x0]  }
0x1e8: {  	s6 =	sshll.u32 s9, $0x7;
	s26 =	sand.u32 $0x3FFFFF80, s5;
	[tilespmem:v6+s30+$0x6400] =	vst.idx.add.f32.msk vm0, v1  }
0x1e9: {  	s24 =	sand.u32 $0x3FFFFF80, s6;
	[tilespmem:v7+s26+$0x6400] =	vst.idx.add.f32.msk vm0, v1  }
0x1ea: {  	[tilespmem:v8+s24+$0x6400] =	vst.idx.add.f32.msk vm0, v1  }
0x1eb: {  	v2 =	vld [tilespmem:s17+$0x10]  }
0x1ec: {  	v3 =	vld [tilespmem:s1+$0x10]  }
0x1ed: {  	v5 =	vld [tilespmem:s0+$0x10]  }
0x1ee: {  	v6 =	vld [tilespmem:s18+$0x10]  }
0x1ef: {  	v7 =	vld [tilespmem:s16+$0x10]  }
0x1f0: {  	s3 =	sshll.u32 s3, $0x7;
	v9 =	vld [tilespmem:s29+$0x10]  }
0x1f1: {  	s25 =	sand.u32 $0x3FFFFF80, s3;
	v8 =	vld [tilespmem:s20+$0x10]  }
0x1f2: {  	[tilespmem:v4+s25+$0x6400] =	vst.idx.add.f32.msk vm0, v1  }
0x1f3: {  	[tilespmem:v2+s19+$0x6400] =	vst.idx.add.f32.msk $0xffff, v1  }
0x1f4: {  	v4 =	vld [tilespmem:s23+$0x10]  }
0x1f5: {  	[tilespmem:v3+s28+$0x6400] =	vst.idx.add.f32.msk $0xffff, v1  }
0x1f6: {  	[tilespmem:v5+s26+$0x6400] =	vst.idx.add.f32.msk $0xffff, v1  }
0x1f7: {  	[tilespmem:v7+s21+$0x6400] =	vst.idx.add.f32.msk $0xffff, v1  }
0x1f8: {  	[tilespmem:v9+s30+$0x6400] =	vst.idx.add.f32.msk $0xffff, v1  }
0x1f9: {  	[tilespmem:v8+s24+$0x6400] =	vst.idx.add.f32.msk $0xffff, v1  }
0x1fa: {  	[tilespmem:v6+s22+$0x6400] =	vst.idx.add.f32.msk $0xffff, v1  }
0x1fb: {  	v2 =	vld [tilespmem:s17+$0x20]  }
0x1fc: {  	v3 =	vld [tilespmem:s0+$0x20]  }
0x1fd: {  	v5 =	vld [tilespmem:s29+$0x20]  }
0x1fe: {  	v6 =	vld [tilespmem:s1+$0x20]  }
0x1ff: {  	v58 =	vld [tilespmem:s16+$0x20]  }
0x200: {  	v60 =	vld [tilespmem:s20+$0x20]  }
0x201: {  	[tilespmem:v4+s25+$0x6400] =	vst.idx.add.f32.msk $0xffff, v1  }
0x202: {  	v4 =	vld [tilespmem:s18+$0x20]  }
0x203: {  	[tilespmem:v2+s19+$0x6400] =	vst.idx.add.f32.msk $0xffff, v1  }
0x204: {  	[tilespmem:v3+s26+$0x6400] =	vst.idx.add.f32.msk $0xffff, v1  }
0x205: {  	v2 =	vld [tilespmem:s17+$0x30]  }
0x206: {  	v7 =	vld [tilespmem:s23+$0x20]  }
0x207: {  	[tilespmem:v5+s30+$0x6400] =	vst.idx.add.f32.msk $0xffff, v1  }
0x208: {  	[tilespmem:v6+s28+$0x6400] =	vst.idx.add.f32.msk $0xffff, v1  }
0x209: {  	[tilespmem:v58+s21+$0x6400] =	vst.idx.add.f32.msk $0xffff, v1  }
0x20a: {  	v5 =	vld [tilespmem:s29+$0x30]  }
0x20b: {  	[tilespmem:v4+s22+$0x6400] =	vst.idx.add.f32.msk $0xffff, v1  }
0x20c: {  	v4 =	vld [tilespmem:s18+$0x30]  }
0x20d: {  	[tilespmem:v2+s19+$0x6400] =	vst.idx.add.f32.msk $0xffff, v1  }
0x20e: {  	v2 =	vld [tilespmem:s0+$0x30]  }
0x20f: {  	[tilespmem:v60+s24+$0x6400] =	vst.idx.add.f32.msk $0xffff, v1  }
0x210: {  	v6 =	vld [tilespmem:s1+$0x30]  }
0x211: {  	[tilespmem:v7+s25+$0x6400] =	vst.idx.add.f32.msk $0xffff, v1  }
0x212: {  	v3 =	vld [tilespmem:s17+$0x40]  }
0x213: {  	[tilespmem:v5+s30+$0x6400] =	vst.idx.add.f32.msk $0xffff, v1  }
0x214: {  	[tilespmem:v4+s22+$0x6400] =	vst.idx.add.f32.msk $0xffff, v1  }
0x215: {  	v4 =	vld [tilespmem:s23+$0x30]  }
0x216: {  	[tilespmem:v2+s26+$0x6400] =	vst.idx.add.f32.msk $0xffff, v1  }
0x217: {  	v2 =	vld [tilespmem:s0+$0x40]  }
0x218: {  	[tilespmem:v6+s28+$0x6400] =	vst.idx.add.f32.msk $0xffff, v1  }
0x219: {  	v7 =	vld [tilespmem:s18+$0x40]  }
0x21a: {  	[tilespmem:v3+s19+$0x6400] =	vst.idx.add.f32.msk $0xffff, v1  }
0x21b: {  	v3 =	vld [tilespmem:s29+$0x40]  }
0x21c: {  	v5 =	vld [tilespmem:s17+$0x50]  }
0x21d: {  	[tilespmem:v4+s25+$0x6400] =	vst.idx.add.f32.msk $0xffff, v1  }
0x21e: {  	v4 =	vld [tilespmem:s16+$0x30]  }
0x21f: {  	[tilespmem:v2+s26+$0x6400] =	vst.idx.add.f32.msk $0xffff, v1  }
0x220: {  	v2 =	vld [tilespmem:s1+$0x40]  }
0x221: {  	[tilespmem:v7+s22+$0x6400] =	vst.idx.add.f32.msk $0xffff, v1  }
0x222: {  	v7 =	vld [tilespmem:s23+$0x40]  }
0x223: {  	[tilespmem:v3+s30+$0x6400] =	vst.idx.add.f32.msk $0xffff, v1  }
0x224: {  	v6 =	vld [tilespmem:s0+$0x50]  }
0x225: {  	v3 =	vld [tilespmem:s29+$0x50]  }
0x226: {  	[tilespmem:v5+s19+$0x6400] =	vst.idx.add.f32.msk $0xffff, v1  }
0x227: {  	v5 =	vld [tilespmem:s18+$0x50]  }
0x228: {  	[tilespmem:v2+s28+$0x6400] =	vst.idx.add.f32.msk $0xffff, v1  }
0x229: {  	v2 =	vld [tilespmem:s1+$0x50]  }
0x22a: {  	v59 =	vld [tilespmem:s17+$0x60]  }
0x22b: {  	[tilespmem:v4+s21+$0x6400] =	vst.idx.add.f32.msk $0xffff, v1  }
0x22c: {  	v4 =	vld [tilespmem:s16+$0x40]  }
0x22d: {  	[tilespmem:v7+s25+$0x6400] =	vst.idx.add.f32.msk $0xffff, v1  }
0x22e: {  	v61 =	vld [tilespmem:s23+$0x50]  }
0x22f: {  	[tilespmem:v6+s26+$0x6400] =	vst.idx.add.f32.msk $0xffff, v1  }
0x230: {  	[tilespmem:v3+s30+$0x6400] =	vst.idx.add.f32.msk $0xffff, v1  }
0x231: {  	[tilespmem:v2+s28+$0x6400] =	vst.idx.add.f32.msk $0xffff, v1  }
0x232: {  	v2 =	vld [tilespmem:s1+$0x60]  }
0x233: {  	[tilespmem:v5+s22+$0x6400] =	vst.idx.add.f32.msk $0xffff, v1  }
0x234: {  	v6 =	vld [tilespmem:s0+$0x60]  }
0x235: {  	v3 =	vld [tilespmem:s29+$0x60]  }
0x236: {  	[tilespmem:v59+s19+$0x6400] =	vst.idx.add.f32.msk $0xffff, v1  }
0x237: {  	v7 =	vld [tilespmem:s17+$0x70]  }
0x238: {  	[tilespmem:v4+s21+$0x6400] =	vst.idx.add.f32.msk $0xffff, v1  }
0x239: {  	v4 =	vld [tilespmem:s16+$0x50]  }
0x23a: {  	[tilespmem:v2+s28+$0x6400] =	vst.idx.add.f32.msk $0xffff, v1  }
0x23b: {  	v2 =	vld [tilespmem:s1+$0x70]  }
0x23c: {  	[tilespmem:v6+s26+$0x6400] =	vst.idx.add.f32.msk $0xffff, v1  }
0x23d: {  	[tilespmem:v3+s30+$0x6400] =	vst.idx.add.f32.msk $0xffff, v1  }
0x23e: {  	v3 =	vld [tilespmem:s29+$0x70]  }
0x23f: {  	v5 =	vld [tilespmem:s0+$0x70]  }
0x240: {  	v6 =	vld [tilespmem:s18+$0x60]  }
0x241: {  	[tilespmem:v4+s21+$0x6400] =	vst.idx.add.f32.msk $0xffff, v1  }
0x242: {  	v4 =	vld [tilespmem:s16+$0x60]  }
0x243: {  	s7 =	sand.u32 $0x7FE0, s1;
	[tilespmem:v2+s28+$0x6400] =	vst.idx.add.f32.msk $0xffff, v1  }
0x244: {  	v2 =	vld [tilespmem:s7+$0x80]  }
0x245: {  	[tilespmem:v7+s19+$0x6400] =	vst.idx.add.f32.msk $0xffff, v1  }
0x246: {  	[tilespmem:v3+s30+$0x6400] =	vst.idx.add.f32.msk $0xffff, v1  }
0x247: {  	s9 =	sand.u32 $0x7FE8, s17;
	[tilespmem:v5+s26+$0x6400] =	vst.idx.add.f32.msk $0xffff, v1  }
0x248: {  	s8 =	sand.u32 $0x7FD0, s0;
	v5 =	vld [tilespmem:s9+$0x80]  }
0x249: {  	v3 =	vld [tilespmem:s8+$0x80]  }
0x24a: {  	[tilespmem:v4+s21+$0x6400] =	vst.idx.add.f32.msk $0xffff, v1  }
0x24b: {  	v4 =	vld [tilespmem:s16+$0x70]  }
0x24c: {  	[tilespmem:v2+s28+$0x6400] =	vst.idx.add.f32.msk $0xffff, v1  }
0x24d: {  	v2 =	vld [tilespmem:s1+$0x90]  }
0x24e: {  	[tilespmem:v61+s25+$0x6400] =	vst.idx.add.f32.msk $0xffff, v1  }
0x24f: {  	s11 =	sand.u32 $0x7FC0, s29;
	[tilespmem:v6+s22+$0x6400] =	vst.idx.add.f32.msk $0xffff, v1  }
0x250: {  	v7 =	vld [tilespmem:s11+$0x80]  }
0x251: {  	[tilespmem:v5+s19+$0x6400] =	vst.idx.add.f32.msk $0xffff, v1  }
0x252: {  	[tilespmem:v3+s26+$0x6400] =	vst.idx.add.f32.msk $0xffff, v1  }
0x253: {  	s10 =	sand.u32 $0x7FF8, s16;
	[tilespmem:v4+s21+$0x6400] =	vst.idx.add.f32.msk $0xffff, v1  }
0x254: {  	v4 =	vld [tilespmem:s10+$0x80]  }
0x255: {  	[tilespmem:v2+s28+$0x6400] =	vst.idx.add.f32.msk $0xffff, v1  }
0x256: {  	v2 =	vld [tilespmem:s20+$0x30]  }
0x257: {  	v3 =	vld [tilespmem:s17+$0x90]  }
0x258: {  	[tilespmem:v7+s30+$0x6400] =	vst.idx.add.f32.msk $0xffff, v1  }
0x259: {  	v7 =	vld [tilespmem:s18+$0x70]  }
0x25a: {  	v6 =	vld [tilespmem:s0+$0x90]  }
0x25b: {  	v9 =	vld [tilespmem:s29+$0x90]  }
0x25c: {  	[tilespmem:v4+s21+$0x6400] =	vst.idx.add.f32.msk $0xffff, v1  }
0x25d: {  	v4 =	vld [tilespmem:s16+$0x90]  }
0x25e: {  	[tilespmem:v2+s24+$0x6400] =	vst.idx.add.f32.msk $0xffff, v1  }
0x25f: {  	v2 =	vld [tilespmem:s20+$0x40]  }
0x260: {  	[tilespmem:v3+s19+$0x6400] =	vst.idx.add.f32.msk $0xffff, v1  }
0x261: {  	[tilespmem:v7+s22+$0x6400] =	vst.idx.add.f32.msk $0xffff, v1  }
0x262: {  	v3 =	vld [tilespmem:s17+$0xA0]  }
0x263: {  	s12 =	sand.u32 $0x7FD8, s18;
	[tilespmem:v9+s30+$0x6400] =	vst.idx.add.f32.msk $0xffff, v1  }
0x264: {  	v62 =	vld [tilespmem:s12+$0x80]  }
0x265: {  	[tilespmem:v4+s21+$0x6400] =	vst.idx.add.f32.msk $0xffff, v1  }
0x266: {  	v4 =	vld [tilespmem:s23+$0x60]  }
0x267: {  	[tilespmem:v2+s24+$0x6400] =	vst.idx.add.f32.msk $0xffff, v1  }
0x268: {  	v2 =	vld [tilespmem:s20+$0x50]  }
0x269: {  	[tilespmem:v6+s26+$0x6400] =	vst.idx.add.f32.msk $0xffff, v1  }
0x26a: {  	v5 =	vld [tilespmem:s1+$0xA0]  }
0x26b: {  	v6 =	vld [tilespmem:s0+$0xA0]  }
0x26c: {  	[tilespmem:v62+s22+$0x6400] =	vst.idx.add.f32.msk $0xffff, v1  }
0x26d: {  	[tilespmem:v3+s19+$0x6400] =	vst.idx.add.f32.msk $0xffff, v1  }
0x26e: {  	[tilespmem:v4+s25+$0x6400] =	vst.idx.add.f32.msk $0xffff, v1  }
0x26f: {  	v4 =	vld [tilespmem:s23+$0x70]  }
0x270: {  	[tilespmem:v2+s24+$0x6400] =	vst.idx.add.f32.msk $0xffff, v1  }
0x271: {  	v2 =	vld [tilespmem:s20+$0x60]  }
0x272: {  	[tilespmem:v5+s28+$0x6400] =	vst.idx.add.f32.msk $0xffff, v1  }
0x273: {  	v5 =	vld [tilespmem:s29+$0xA0]  }
0x274: {  	[tilespmem:v6+s26+$0x6400] =	vst.idx.add.f32.msk $0xffff, v1  }
0x275: {  	v7 =	vld [tilespmem:s1+$0xB0]  }
0x276: {  	v6 =	vld [tilespmem:s0+$0xB0]  }
0x277: {  	s13 =	sand.u32 $0x7FC8, s23;
	[tilespmem:v4+s25+$0x6400] =	vst.idx.add.f32.msk $0xffff, v1  }
0x278: {  	v4 =	vld [tilespmem:s13+$0x80]  }
0x279: {  	[tilespmem:v2+s24+$0x6400] =	vst.idx.add.f32.msk $0xffff, v1  }
0x27a: {  	v2 =	vld [tilespmem:s20+$0x70]  }
0x27b: {  	[tilespmem:v5+s30+$0x6400] =	vst.idx.add.f32.msk $0xffff, v1  }
0x27c: {  	v5 =	vld [tilespmem:s29+$0xB0]  }
0x27d: {  	[tilespmem:v7+s28+$0x6400] =	vst.idx.add.f32.msk $0xffff, v1  }
0x27e: {  	v7 =	vld [tilespmem:s18+$0x90]  }
0x27f: {  	[tilespmem:v6+s26+$0x6400] =	vst.idx.add.f32.msk $0xffff, v1  }
0x280: {  	[tilespmem:v4+s25+$0x6400] =	vst.idx.add.f32.msk $0xffff, v1  }
0x281: {  	v4 =	vld [tilespmem:s23+$0x90]  }
0x282: {  	s31 =	sand.u32 $0x7FF0, s20;
	[tilespmem:v2+s24+$0x6400] =	vst.idx.add.f32.msk $0xffff, v1  }
0x283: {  	v2 =	vld [tilespmem:s31+$0x80]  }
0x284: {  	v63 =	vld [tilespmem:s1+$0xC0]  }
0x285: {  	[tilespmem:v5+s30+$0x6400] =	vst.idx.add.f32.msk $0xffff, v1  }
0x286: {  	[tilespmem:v7+s22+$0x6400] =	vst.idx.add.f32.msk $0xffff, v1  }
0x287: {  	v7 =	vld [tilespmem:s17+$0xB0]  }
0x288: {  	v5 =	vld [tilespmem:s29+$0xC0]  }
0x289: {  	[tilespmem:v4+s25+$0x6400] =	vst.idx.add.f32.msk $0xffff, v1  }
0x28a: {  	v3 =	vld [tilespmem:s23+$0xA0]  }
0x28b: {  	[tilespmem:v2+s24+$0x6400] =	vst.idx.add.f32.msk $0xffff, v1  }
0x28c: {  	v2 =	vld [tilespmem:s18+$0xA0]  }
0x28d: {  	[tilespmem:v63+s28+$0x6400] =	vst.idx.add.f32.msk $0xff, v1  }
0x28e: {  	v6 =	vld [tilespmem:s20+$0x90]  }
0x28f: {  	[tilespmem:v7+s19+$0x6400] =	vst.idx.add.f32.msk $0xffff, v1  }
0x290: {  	[tilespmem:v5+s30+$0x6400] =	vst.idx.add.f32.msk $0xff, v1  }
0x291: {  	v5 =	vld [tilespmem:s16+$0xA0]  }
0x292: {  	v4 =	vld [tilespmem:s0+$0xC0]  }
0x293: {  	[tilespmem:v3+s25+$0x6400] =	vst.idx.add.f32.msk $0xffff, v1  }
0x294: {  	[tilespmem:v2+s22+$0x6400] =	vst.idx.add.f32.msk $0xffff, v1  }
0x295: {  	v2 =	vld [tilespmem:s18+$0xB0]  }
0x296: {  	[tilespmem:v6+s24+$0x6400] =	vst.idx.add.f32.msk $0xffff, v1  }
0x297: {  	s0 =	simm.s32 $0x48;
	v3 =	vld [tilespmem:s20+$0xA0]  }
.LBB2_6:
0x298: {  	s30 =	smul.u32 $0xC8, s0  }
0x299: {  	s1 =	sor.u32 $0x1, s0;
	v6 =	vld [tilespmem:s23+$0xB0];
	s3 =	smov.u32 s0;
	s28 =	sadd.s32 $0x8, s0  }
0x29a: {  	s4 =	smul.u32 $0xC8, s1;
	s5 =	sshll.u32 s1, $0x7;
	s1 =	sor.u32 $0x2, s3;
	[tilespmem:v4+s26+$0x6400] =	vst.idx.add.f32.msk $0xff, v1  }
0x29b: {  	s7 =	sor.u32 $0x3, s3;
	s29 =	smul.u32 $0xC8, s1;
	s6 =	sshll.u32 s1, $0x7;
	[tilespmem:v5+s21+$0x6400] =	vst.idx.add.f32.msk $0xffff, v1  }
0x29c: {  	p0 =	slt.u32 s0, $0x78;
	s9 =	sor.u32 $0x4, s3;
	s8 =	smul.u32 $0xC8, s7;
	v4 =	vld [tilespmem:s16+$0xB0]  }
0x29d: {  	s0 =	sor.u32 $0x5, s3;
	s31 =	smul.u32 $0xC8, s9;
	v5 =	vld [tilespmem:s30+$0x0]  }
0x29e: {  	s10 =	sor.u32 $0x6, s3;
	s1 =	smul.u32 $0xC8, s0;
	s0 =	sshll.u32 s0, $0x7;
	[tilespmem:v2+s22+$0x6400] =	vst.idx.add.f32.msk $0xffff, v1  }
0x29f: {  	s13 =	sor.u32 $0x7, s3;
	s11 =	smul.u32 $0xC8, s10;
	s10 =	sshll.u32 s10, $0x7;
	v2 =	vld [tilespmem:s17+$0xC0]  }
0x2a0: {  	s12 =	smul.u32 $0xC8, s13;
	s13 =	sshll.u32 s13, $0x7;
	s17 =	smov.u32 s1;
	[tilespmem:v3+s24+$0x6400] =	vst.idx.add.f32.msk $0xffff, v1  }
0x2a1: {  	s1 =	sshll.u32 s3, $0x7;
	v3 =	vld [tilespmem:s31+$0x0]  }
0x2a2: {  	s1 =	sand.u32 $0x3FFFFF80, s1;
	v7 =	vld [tilespmem:s20+$0xB0]  }
0x2a3: {  	s3 =	sand.u32 $0x3FFFFF80, s5;
	[tilespmem:v6+s25+$0x6400] =	vst.idx.add.f32.msk $0xffff, v1  }
0x2a4: {  	s26 =	sand.u32 $0x3FFFFF80, s6;
	s5 =	sshll.u32 s7, $0x7;
	v6 =	vld [tilespmem:s17+$0x0]  }
0x2a5: {  	s5 =	sand.u32 $0x3FFFFF80, s5;
	v8 =	vld [tilespmem:s29+$0x0]  }
0x2a6: {  	[tilespmem:v4+s21+$0x6400] =	vst.idx.add.f32.msk $0xffff, v1  }
0x2a7: {  	s6 =	sand.u32 $0x3FFFFF80, s0;
	v4 =	vld [tilespmem:s8+$0x0]  }
0x2a8: {  	v9 =	vld [tilespmem:s18+$0xC0];
	s18 =	smov.u32 s8  }
0x2a9: {  	s7 =	sand.u32 $0x3FFFFF80, s10;
	v10 =	vld [tilespmem:s23+$0xC0];
	s23 =	smov.u32 s4  }
0x2aa: {  	s4 =	sand.u32 $0x3FFFFF80, s13;
	[tilespmem:v7+s24+$0x6400] =	vst.idx.add.f32.msk $0xffff, v1  }
0x2ab: {  	v7 =	vld [tilespmem:s16+$0xC0];
	s16 =	smov.u32 s12  }
0x2ac: {  	s0 =	sshll.u32 s9, $0x7;
	v11 =	vld [tilespmem:s20+$0xC0];
	s20 =	smov.u32 s11  }
0x2ad: {  	s0 =	sand.u32 $0x3FFFFF80, s0;
	v12 =	vld [tilespmem:s16+$0x0]  }
0x2ae: {  	[tilespmem:v6+s6+$0x6400] =	vst.idx.add.f32.msk vm0, v1  }
0x2af: {  	v6 =	vld [tilespmem:s17+$0x10]  }
0x2b0: {  	[tilespmem:v9+s22+$0x6400] =	vst.idx.add.f32.msk $0xff, v1;
	s22 =	smov.u32 s5  }
0x2b1: {  	[tilespmem:v2+s19+$0x6400] =	vst.idx.add.f32.msk $0xff, v1;
	s19 =	smov.u32 s6  }
0x2b2: {  	v2 =	vld [tilespmem:s20+$0x0]  }
0x2b3: {  	[tilespmem:v7+s21+$0x6400] =	vst.idx.add.f32.msk $0xff, v1;
	s21 =	smov.u32 s4  }
0x2b4: {  	[tilespmem:v11+s24+$0x6400] =	vst.idx.add.f32.msk $0xff, v1;
	s24 =	smov.u32 s7  }
0x2b5: {  	[tilespmem:v10+s25+$0x6400] =	vst.idx.add.f32.msk $0xff, v1;
	s25 =	smov.u32 s3  }
0x2b6: {  	[tilespmem:v3+s0+$0x6400] =	vst.idx.add.f32.msk vm0, v1  }
0x2b7: {  	[tilespmem:v12+s21+$0x6400] =	vst.idx.add.f32.msk vm0, v1  }
0x2b8: {  	[tilespmem:v4+s22+$0x6400] =	vst.idx.add.f32.msk vm0, v1  }
0x2b9: {  	v3 =	vld [tilespmem:s31+$0x10]  }
0x2ba: {  	v4 =	vld [tilespmem:s23+$0x0]  }
0x2bb: {  	[tilespmem:v5+s1+$0x6400] =	vst.idx.add.f32.msk vm0, v1  }
0x2bc: {  	[tilespmem:v6+s19+$0x6400] =	vst.idx.add.f32.msk $0xffff, v1  }
0x2bd: {  	[tilespmem:v8+s26+$0x6400] =	vst.idx.add.f32.msk vm0, v1  }
0x2be: {  	v5 =	vld [tilespmem:s17+$0x20]  }
0x2bf: {  	[tilespmem:v2+s24+$0x6400] =	vst.idx.add.f32.msk vm0, v1  }
0x2c0: {  	v2 =	vld [tilespmem:s18+$0x10]  }
0x2c1: {  	v6 =	vld [tilespmem:s29+$0x10]  }
0x2c2: {  	v7 =	vld [tilespmem:s16+$0x10]  }
0x2c3: {  	v8 =	vld [tilespmem:s20+$0x10];
	_ =	sdelay $0x1  }
0x2c4: {  	[tilespmem:v4+s25+$0x6400] =	vst.idx.add.f32.msk vm0, v1  }
0x2c5: {  	v4 =	vld [tilespmem:s23+$0x10]  }
0x2c6: {  	v9 =	vld [tilespmem:s30+$0x10]  }
0x2c7: {  	[tilespmem:v3+s0+$0x6400] =	vst.idx.add.f32.msk $0xffff, v1  }
0x2c8: {  	[tilespmem:v6+s26+$0x6400] =	vst.idx.add.f32.msk $0xffff, v1  }
0x2c9: {  	v3 =	vld [tilespmem:s29+$0x20]  }
0x2ca: {  	[tilespmem:v7+s21+$0x6400] =	vst.idx.add.f32.msk $0xffff, v1  }
0x2cb: {  	[tilespmem:v5+s19+$0x6400] =	vst.idx.add.f32.msk $0xffff, v1  }
0x2cc: {  	v5 =	vld [tilespmem:s17+$0x30]  }
0x2cd: {  	[tilespmem:v4+s25+$0x6400] =	vst.idx.add.f32.msk $0xffff, v1  }
0x2ce: {  	[tilespmem:v9+s1+$0x6400] =	vst.idx.add.f32.msk $0xffff, v1  }
0x2cf: {  	[tilespmem:v8+s24+$0x6400] =	vst.idx.add.f32.msk $0xffff, v1  }
0x2d0: {  	[tilespmem:v2+s22+$0x6400] =	vst.idx.add.f32.msk $0xffff, v1  }
0x2d1: {  	v2 =	vld [tilespmem:s18+$0x20]  }
0x2d2: {  	v4 =	vld [tilespmem:s30+$0x20]  }
0x2d3: {  	[tilespmem:v3+s26+$0x6400] =	vst.idx.add.f32.msk $0xffff, v1  }
0x2d4: {  	[tilespmem:v5+s19+$0x6400] =	vst.idx.add.f32.msk $0xffff, v1  }
0x2d5: {  	v3 =	vld [tilespmem:s29+$0x30]  }
0x2d6: {  	v5 =	vld [tilespmem:s17+$0x40]  }
0x2d7: {  	v6 =	vld [tilespmem:s31+$0x20]  }
0x2d8: {  	v7 =	vld [tilespmem:s23+$0x20]  }
0x2d9: {  	[tilespmem:v2+s22+$0x6400] =	vst.idx.add.f32.msk $0xffff, v1  }
0x2da: {  	[tilespmem:v4+s1+$0x6400] =	vst.idx.add.f32.msk $0xffff, v1  }
0x2db: {  	v2 =	vld [tilespmem:s18+$0x30]  }
0x2dc: {  	v4 =	vld [tilespmem:s30+$0x30]  }
0x2dd: {  	v8 =	vld [tilespmem:s16+$0x20]  }
0x2de: {  	[tilespmem:v3+s26+$0x6400] =	vst.idx.add.f32.msk $0xffff, v1  }
0x2df: {  	v3 =	vld [tilespmem:s29+$0x40]  }
0x2e0: {  	[tilespmem:v6+s0+$0x6400] =	vst.idx.add.f32.msk $0xffff, v1  }
0x2e1: {  	[tilespmem:v7+s25+$0x6400] =	vst.idx.add.f32.msk $0xffff, v1  }
0x2e2: {  	v6 =	vld [tilespmem:s31+$0x30]  }
0x2e3: {  	[tilespmem:v2+s22+$0x6400] =	vst.idx.add.f32.msk $0xffff, v1  }
0x2e4: {  	v2 =	vld [tilespmem:s23+$0x30]  }
0x2e5: {  	[tilespmem:v4+s1+$0x6400] =	vst.idx.add.f32.msk $0xffff, v1  }
0x2e6: {  	[tilespmem:v5+s19+$0x6400] =	vst.idx.add.f32.msk $0xffff, v1  }
0x2e7: {  	v4 =	vld [tilespmem:s30+$0x40]  }
0x2e8: {  	v5 =	vld [tilespmem:s17+$0x50]  }
0x2e9: {  	v7 =	vld [tilespmem:s18+$0x40]  }
0x2ea: {  	[tilespmem:v6+s0+$0x6400] =	vst.idx.add.f32.msk $0xffff, v1  }
0x2eb: {  	[tilespmem:v3+s26+$0x6400] =	vst.idx.add.f32.msk $0xffff, v1  }
0x2ec: {  	v3 =	vld [tilespmem:s31+$0x40]  }
0x2ed: {  	v6 =	vld [tilespmem:s29+$0x50]  }
0x2ee: {  	[tilespmem:v2+s25+$0x6400] =	vst.idx.add.f32.msk $0xffff, v1  }
0x2ef: {  	[tilespmem:v8+s21+$0x6400] =	vst.idx.add.f32.msk $0xffff, v1  }
0x2f0: {  	v2 =	vld [tilespmem:s16+$0x30]  }
0x2f1: {  	[tilespmem:v7+s22+$0x6400] =	vst.idx.add.f32.msk $0xffff, v1  }
0x2f2: {  	[tilespmem:v4+s1+$0x6400] =	vst.idx.add.f32.msk $0xffff, v1  }
0x2f3: {  	v4 =	vld [tilespmem:s30+$0x50]  }
0x2f4: {  	[tilespmem:v3+s0+$0x6400] =	vst.idx.add.f32.msk $0xffff, v1  }
0x2f5: {  	v3 =	vld [tilespmem:s31+$0x50]  }
0x2f6: {  	[tilespmem:v6+s26+$0x6400] =	vst.idx.add.f32.msk $0xffff, v1  }
0x2f7: {  	v6 =	vld [tilespmem:s29+$0x60]  }
0x2f8: {  	[tilespmem:v5+s19+$0x6400] =	vst.idx.add.f32.msk $0xffff, v1  }
0x2f9: {  	[tilespmem:v2+s21+$0x6400] =	vst.idx.add.f32.msk $0xffff, v1  }
0x2fa: {  	v2 =	vld [tilespmem:s16+$0x40]  }
0x2fb: {  	v5 =	vld [tilespmem:s18+$0x50]  }
0x2fc: {  	v7 =	vld [tilespmem:s23+$0x40]  }
0x2fd: {  	[tilespmem:v3+s0+$0x6400] =	vst.idx.add.f32.msk $0xffff, v1  }
0x2fe: {  	v3 =	vld [tilespmem:s31+$0x60]  }
0x2ff: {  	[tilespmem:v4+s1+$0x6400] =	vst.idx.add.f32.msk $0xffff, v1  }
0x300: {  	v4 =	vld [tilespmem:s30+$0x60]  }
0x301: {  	v8 =	vld [tilespmem:s17+$0x60]  }
0x302: {  	[tilespmem:v2+s21+$0x6400] =	vst.idx.add.f32.msk $0xffff, v1  }
0x303: {  	v2 =	vld [tilespmem:s16+$0x50]  }
0x304: {  	[tilespmem:v6+s26+$0x6400] =	vst.idx.add.f32.msk $0xffff, v1  }
0x305: {  	[tilespmem:v5+s22+$0x6400] =	vst.idx.add.f32.msk $0xffff, v1  }
0x306: {  	[tilespmem:v3+s0+$0x6400] =	vst.idx.add.f32.msk $0xffff, v1  }
0x307: {  	v3 =	vld [tilespmem:s31+$0x70]  }
0x308: {  	[tilespmem:v4+s1+$0x6400] =	vst.idx.add.f32.msk $0xffff, v1  }
0x309: {  	[tilespmem:v8+s19+$0x6400] =	vst.idx.add.f32.msk $0xffff, v1  }
0x30a: {  	v4 =	vld [tilespmem:s30+$0x70]  }
0x30b: {  	[tilespmem:v2+s21+$0x6400] =	vst.idx.add.f32.msk $0xffff, v1  }
0x30c: {  	v2 =	vld [tilespmem:s16+$0x60]  }
0x30d: {  	v5 =	vld [tilespmem:s29+$0x70]  }
0x30e: {  	v6 =	vld [tilespmem:s18+$0x60]  }
0x30f: {  	s3 =	sand.u32 $0x7FE0, s31;
	[tilespmem:v3+s0+$0x6400] =	vst.idx.add.f32.msk $0xffff, v1  }
0x310: {  	v3 =	vld [tilespmem:s3+$0x80]  }
0x311: {  	[tilespmem:v7+s25+$0x6400] =	vst.idx.add.f32.msk $0xffff, v1  }
0x312: {  	v7 =	vld [tilespmem:s17+$0x70]  }
0x313: {  	v8 =	vld [tilespmem:s20+$0x20]  }
0x314: {  	[tilespmem:v2+s21+$0x6400] =	vst.idx.add.f32.msk $0xffff, v1  }
0x315: {  	v2 =	vld [tilespmem:s16+$0x70]  }
0x316: {  	[tilespmem:v4+s1+$0x6400] =	vst.idx.add.f32.msk $0xffff, v1  }
0x317: {  	[tilespmem:v5+s26+$0x6400] =	vst.idx.add.f32.msk $0xffff, v1  }
0x318: {  	[tilespmem:v3+s0+$0x6400] =	vst.idx.add.f32.msk $0xffff, v1  }
0x319: {  	s3 =	sand.u32 $0x7FD0, s29;
	v3 =	vld [tilespmem:s31+$0x90]  }
0x31a: {  	v4 =	vld [tilespmem:s3+$0x80]  }
0x31b: {  	s3 =	sand.u32 $0x7FE8, s17;
	[tilespmem:v7+s19+$0x6400] =	vst.idx.add.f32.msk $0xffff, v1  }
0x31c: {  	v5 =	vld [tilespmem:s3+$0x80]  }
0x31d: {  	s3 =	sand.u32 $0x7FF8, s16;
	[tilespmem:v2+s21+$0x6400] =	vst.idx.add.f32.msk $0xffff, v1  }
0x31e: {  	s4 =	sand.u32 $0x7FC0, s30;
	v2 =	vld [tilespmem:s3+$0x80]  }
0x31f: {  	v7 =	vld [tilespmem:s4+$0x80]  }
0x320: {  	[tilespmem:v6+s22+$0x6400] =	vst.idx.add.f32.msk $0xffff, v1  }
0x321: {  	[tilespmem:v3+s0+$0x6400] =	vst.idx.add.f32.msk $0xffff, v1  }
0x322: {  	[tilespmem:v4+s26+$0x6400] =	vst.idx.add.f32.msk $0xffff, v1  }
0x323: {  	[tilespmem:v8+s24+$0x6400] =	vst.idx.add.f32.msk $0xffff, v1  }
0x324: {  	v3 =	vld [tilespmem:s20+$0x30]  }
0x325: {  	[tilespmem:v5+s19+$0x6400] =	vst.idx.add.f32.msk $0xffff, v1  }
0x326: {  	v4 =	vld [tilespmem:s17+$0x90]  }
0x327: {  	[tilespmem:v2+s21+$0x6400] =	vst.idx.add.f32.msk $0xffff, v1  }
0x328: {  	[tilespmem:v7+s1+$0x6400] =	vst.idx.add.f32.msk $0xffff, v1  }
0x329: {  	v2 =	vld [tilespmem:s16+$0x90]  }
0x32a: {  	v5 =	vld [tilespmem:s31+$0xA0]  }
0x32b: {  	v6 =	vld [tilespmem:s29+$0x90]  }
0x32c: {  	v7 =	vld [tilespmem:s18+$0x70]  }
0x32d: {  	[tilespmem:v3+s24+$0x6400] =	vst.idx.add.f32.msk $0xffff, v1  }
0x32e: {  	v3 =	vld [tilespmem:s20+$0x40]  }
0x32f: {  	v8 =	vld [tilespmem:s23+$0x50]  }
0x330: {  	v9 =	vld [tilespmem:s30+$0x90]  }
0x331: {  	[tilespmem:v4+s19+$0x6400] =	vst.idx.add.f32.msk $0xffff, v1  }
0x332: {  	v4 =	vld [tilespmem:s17+$0xA0]  }
0x333: {  	[tilespmem:v2+s21+$0x6400] =	vst.idx.add.f32.msk $0xffff, v1  }
0x334: {  	[tilespmem:v7+s22+$0x6400] =	vst.idx.add.f32.msk $0xffff, v1  }
0x335: {  	[tilespmem:v5+s0+$0x6400] =	vst.idx.add.f32.msk $0xffff, v1  }
0x336: {  	[tilespmem:v3+s24+$0x6400] =	vst.idx.add.f32.msk $0xffff, v1  }
0x337: {  	v2 =	vld [tilespmem:s20+$0x50]  }
0x338: {  	[tilespmem:v8+s25+$0x6400] =	vst.idx.add.f32.msk $0xffff, v1  }
0x339: {  	v3 =	vld [tilespmem:s23+$0x60]  }
0x33a: {  	[tilespmem:v9+s1+$0x6400] =	vst.idx.add.f32.msk $0xffff, v1  }
0x33b: {  	[tilespmem:v6+s26+$0x6400] =	vst.idx.add.f32.msk $0xffff, v1  }
0x33c: {  	v5 =	vld [tilespmem:s30+$0xA0]  }
0x33d: {  	v6 =	vld [tilespmem:s29+$0xA0]  }
0x33e: {  	v7 =	vld [tilespmem:s31+$0xB0]  }
0x33f: {  	[tilespmem:v2+s24+$0x6400] =	vst.idx.add.f32.msk $0xffff, v1  }
0x340: {  	v2 =	vld [tilespmem:s20+$0x60]  }
0x341: {  	[tilespmem:v3+s25+$0x6400] =	vst.idx.add.f32.msk $0xffff, v1  }
0x342: {  	s3 =	sand.u32 $0x7FD8, s18;
	v3 =	vld [tilespmem:s23+$0x70]  }
0x343: {  	v8 =	vld [tilespmem:s3+$0x80]  }
0x344: {  	[tilespmem:v5+s1+$0x6400] =	vst.idx.add.f32.msk $0xffff, v1  }
0x345: {  	v5 =	vld [tilespmem:s30+$0xB0]  }
0x346: {  	[tilespmem:v6+s26+$0x6400] =	vst.idx.add.f32.msk $0xffff, v1  }
0x347: {  	[tilespmem:v7+s0+$0x6400] =	vst.idx.add.f32.msk $0xffff, v1  }
0x348: {  	[tilespmem:v2+s24+$0x6400] =	vst.idx.add.f32.msk $0xffff, v1  }
0x349: {  	v2 =	vld [tilespmem:s20+$0x70]  }
0x34a: {  	s3 =	sand.u32 $0x7FC8, s23;
	[tilespmem:v3+s25+$0x6400] =	vst.idx.add.f32.msk $0xffff, v1  }
0x34b: {  	v3 =	vld [tilespmem:s3+$0x80]  }
0x34c: {  	[tilespmem:v8+s22+$0x6400] =	vst.idx.add.f32.msk $0xffff, v1  }
0x34d: {  	v6 =	vld [tilespmem:s29+$0xB0]  }
0x34e: {  	[tilespmem:v5+s1+$0x6400] =	vst.idx.add.f32.msk $0xffff, v1  }
0x34f: {  	v5 =	vld [tilespmem:s30+$0xC0]  }
0x350: {  	v7 =	vld [tilespmem:s18+$0x90]  }
0x351: {  	s3 =	sand.u32 $0x7FF0, s20;
	[tilespmem:v2+s24+$0x6400] =	vst.idx.add.f32.msk $0xffff, v1  }
0x352: {  	v2 =	vld [tilespmem:s3+$0x80]  }
0x353: {  	[tilespmem:v3+s25+$0x6400] =	vst.idx.add.f32.msk $0xffff, v1  }
0x354: {  	v3 =	vld [tilespmem:s23+$0x90]  }
0x355: {  	v8 =	vld [tilespmem:s31+$0xC0]  }
0x356: {  	[tilespmem:v4+s19+$0x6400] =	vst.idx.add.f32.msk $0xffff, v1  }
0x357: {  	[tilespmem:v5+s1+$0x6400] =	vst.idx.add.f32.msk $0xff, v1  }
0x358: {  	[tilespmem:v7+s22+$0x6400] =	vst.idx.add.f32.msk $0xffff, v1  }
0x359: {  	[tilespmem:v6+s26+$0x6400] =	vst.idx.add.f32.msk $0xffff, v1  }
0x35a: {  	[tilespmem:v2+s24+$0x6400] =	vst.idx.add.f32.msk $0xffff, v1  }
0x35b: {  	v2 =	vld [tilespmem:s18+$0xA0]  }
0x35c: {  	[tilespmem:v3+s25+$0x6400] =	vst.idx.add.f32.msk $0xffff, v1  }
0x35d: {  	v3 =	vld [tilespmem:s23+$0xA0]  }
0x35e: {  	v6 =	vld [tilespmem:s20+$0x90]  }
0x35f: {  	v7 =	vld [tilespmem:s17+$0xB0]  }
0x360: {  	[tilespmem:v8+s0+$0x6400] =	vst.idx.add.f32.msk $0xff, v1  }
0x361: {  	v5 =	vld [tilespmem:s16+$0xA0]  }
0x362: {  	v4 =	vld [tilespmem:s29+$0xC0]  }
0x363: {  	[tilespmem:v2+s22+$0x6400] =	vst.idx.add.f32.msk $0xffff, v1  }
.Ltmp2:
0x364: {  	v2 =	vld [tilespmem:s18+$0xB0];
	(pc) =	sbr.rel @p0 .LBB2_6-.Ltmp2, $4  }
0x365: {  	[tilespmem:v3+s25+$0x6400] =	vst.idx.add.f32.msk $0xffff, v1  }
0x366: {  	[tilespmem:v6+s24+$0x6400] =	vst.idx.add.f32.msk $0xffff, v1  }
0x367: {  	v3 =	vld [tilespmem:s20+$0xA0]  }
0x368: {  	s0 =	smov.u32 s28;
	[tilespmem:v7+s19+$0x6400] =	vst.idx.add.f32.msk $0xffff, v1  }
0x369: {  	_ =	sdelay $0x3  }
0x36a: {  	v6 =	vld [tilespmem:s23+$0xB0]  }
0x36b: {  	[tilespmem:v5+s21+$0x6400] =	vst.idx.add.f32.msk $0xffff, v1  }
0x36c: {  	v5 =	vld [tilespmem:s16+$0xB0]  }
0x36d: {  	[tilespmem:v3+s24+$0x6400] =	vst.idx.add.f32.msk $0xffff, v1  }
0x36e: {  	v3 =	vld [tilespmem:s20+$0xB0];
	_ =	sdelay $0x1  }
0x36f: {  	[tilespmem:v2+s22+$0x6400] =	vst.idx.add.f32.msk $0xffff, v1  }
0x370: {  	v2 =	vld [tilespmem:s17+$0xC0]  }
0x371: {  	v62 =	vld [tilespmem:s18+$0xC0]  }
0x372: {  	[tilespmem:v6+s25+$0x6400] =	vst.idx.add.f32.msk $0xffff, v1  }
0x373: {  	[tilespmem:v5+s21+$0x6400] =	vst.idx.add.f32.msk $0xffff, v1  }
0x374: {  	v7 =	vld [tilespmem:s23+$0xC0]  }
0x375: {  	[tilespmem:v3+s24+$0x6400] =	vst.idx.add.f32.msk $0xffff, v1  }
0x376: {  	v3 =	vld [tilespmem:s16+$0xC0]  }
0x377: {  	v63 =	vld [tilespmem:s20+$0xC0];
	_ =	sdelay $0x2  }
0x378: {  	[tilespmem:v4+s26+$0x6400] =	vst.idx.add.f32.msk $0xff, v1  }
0x379: {  	[tilespmem:v2+s19+$0x6400] =	vst.idx.add.f32.msk $0xff, v1  }
0x37a: {  	[tilespmem:v62+s22+$0x6400] =	vst.idx.add.f32.msk $0xff, v1  }
0x37b: {  	[tilespmem:v7+s25+$0x6400] =	vst.idx.add.f32.msk $0xff, v1  }
0x37c: {  	[tilespmem:v3+s21+$0x6400] =	vst.idx.add.f32.msk $0xff, v1  }
0x37d: {  	s0 =	simm.s32 $0x3;
	[tilespmem:v63+s24+$0x6400] =	vst.idx.add.f32.msk $0xff, v1  }
0x37e: {  	_ =	swait.ge [sflag:s0], $0x2000  }
0x37f: {  	[sflag:s0] =	ssyncset.done $0x0  }
0x380: {  	s1 =	simm.s32 $0x8400;
	s30 =	rddreg [dreg:$0x6];
	[sflag:s0] =	ssyncadd.s32 $0xFFFFE000  }
0x381: {  	[hbm4b:s30+s2] =	stream.linear.scatter [tilespmem:s1], [sflag:$0x4], $0x2000, $0x38;
	[tilespmem:$0xA400] =	vst v63  }
0x382: {  	_ =	swait.ge [sflag:s14], $0x2000  }
0x383: {  	s15 =	sadd.s32 $0x1, s15;
	s31 =	rddreg [dreg:$0x7]  }
0x384: {  	p0 =	sne.s32 s15, s31  }
.Ltmp3:
0x385: {  	_ = 	snop;
	(pc) =	sbr.rel @p0 .LBB2_1-.Ltmp3, $3  }
0x386: {  	_ =	sdelay $0x1  }
0x387: {  	[sflag:s14] =	ssyncset.done $0x0  }
0x388: {  	[sflag:s14] =	ssyncadd.s32 $0xFFFFE000  }
0x389: {  	_ =	sfence.sel $0x180000  }
0x38a: {  	[bflag:$0x0] =	sbarrier.arrive $0xFFFF  }
0x38b: {  	_ =	strace $0x90000047  }
0x38c: {  	s0 =	stileid.u32;
	[bflag:$0x2] =	sbarrier.arrive $0xFFFF  }
0x38d: {  	p0 =	sne.s32 s0, $0x0;
	s0 =	rddreg [dreg:$0x2]  }
0x38e: {  	s0 =	sadd.s32 @!p0 $0x100000, s0  }
0x38f: {  	[sflag:s0] =	ssyncadd.tile.s32 @!p0 $0x1;
	_ =	shalt  }
.Lfunc_end2:
_tile_overlayer_lowered:
.L_overlay_start_2:
0x390: {  	(tag) =	ssettag $0x2  }
0x391: {  	s0 =	rddreg [dreg:$0x0];
	s2 =	stileid.u32  }
0x392: {  	s1 =	rddreg [dreg:$0x1];
	p0 =	sne.s32 s2, $0x0  }
0x393: {  	s3 =	rddreg [dreg:$0x2];
	[bflag:$0x3] =	sbarrier.arrive $0xFFFF;
	s2 =	simm.s32 @!p0 $0x1C04  }
0x394: {  	[timem:s3], [sflag:s2] =	dma.local @!p0 [hbm:s0], s1  }
0x395: {  	s0 =	simm.s32 @!p0 $0x4  }
0x396: {  	_ =	swait.ge @!p0 [sflag:s0], s1  }
0x397: {  	s1 =	ssub.s32 @!p0 $0x0, s1;
	[sflag:s0] =	ssyncset.done @!p0 $0x0  }
0x398: {  	[sflag:s0] =	ssyncadd.s32 @!p0 s1  }
0x399: {  	[bflag:$0x3] =	sbarrier.arrive $0xFFFF  }
0x39a: {  	_ =	shalt  }

</sc_bundles>
